<compile_context>
chip_gen: v7x
topology: tpu7x:2x2x1
jax: 0.10.2.dev20260603
libtpu: 0.0.44.dev20260713+nightly
codegen_flags: <defaults>
</compile_context>

<pallas_src>
import functools

import jax
import jax.numpy as jnp
from jax import lax
from jax.experimental import pallas as pl
from jax.experimental.pallas import tpu as pltpu
from jax.experimental.pallas import tpu_sc as plsc

N = 10000
E = 320000
H = 64
L = 28

_NC = 2
_NS = 16
_NW = _NC * _NS
_EPW = E // _NW
_CHUNK = 40
_NCHUNK = _EPW // _CHUNK
_RPT = 624


def _ln(h, g, b, eps=1e-5):
    mu = jnp.mean(h, axis=-1, keepdims=True)
    var = jnp.mean((h - mu) ** 2, axis=-1, keepdims=True)
    return (h - mu) / jnp.sqrt(var + eps) * g + b



def _sc_edge_kernel(tbl_hbm, idx2_hbm, mt_hbm, tv_hbm, out_hbm,
                    idx2_loc, rows, rows2, accst, bstg, mloc, tloc,
                    zbuf, table, sem, sem2):
    c = lax.axis_index("c")
    s = lax.axis_index("s")
    wid = c * _NS + s
    ebase = wid * _EPW

    rbase = s * _RPT
    nrows = jnp.where(s == _NS - 1, N - (_NS - 1) * _RPT, _RPT)

    def _z(i, _):
        for k in range(8):
            zbuf.at[i][pl.ds(k * 16, 16)] = jnp.zeros((16,), jnp.float32)
        return 0
    lax.fori_loop(0, 16, _z, 0)

    def _zcp(i, _):
        pltpu.sync_copy(zbuf, table.at[pl.ds(rbase + i * 16, 16)])
        return 0
    lax.fori_loop(0, nrows // 16, _zcp, 0)

    pltpu.sync_copy(idx2_hbm.at[pl.ds(2 * ebase, 2 * _EPW)],
                    idx2_loc.at[pl.ds(0, 2 * _EPW)])
    pltpu.sync_copy(mt_hbm, mloc)
    pltpu.sync_copy(tv_hbm, tloc)

    plsc.subcore_barrier()

    tv = tloc[pl.ds(0, 16)]
    mv = [mloc[pl.ds(16 * k, 16)] for k in range(4)]

    z16 = jnp.zeros((16,), jnp.float32)

    def flush(cur, fd, accs):
        for k in range(8):
            accst.at[0][pl.ds(16 * k, 16)] = accs[k]

        @pl.when(fd == 0)
        def _():
            pltpu.sync_copy(accst, table.at[pl.ds(N + 2 * s, 1)])
            idf = lax.broadcast(cur, (16,)).astype(jnp.float32)
            for k in range(8):
                bstg.at[0][pl.ds(16 * k, 16)] = idf
            pltpu.sync_copy(bstg, table.at[pl.ds(N + 2 * s + 1, 1)])

        @pl.when(fd == 1)
        def _():
            pltpu.sync_copy(accst, table.at[pl.ds(cur, 1)])

    def make_edge_body(buf, ci):
        def edge_body(e, carry):
            cur, fd = carry[0], carry[1]
            accs = carry[2:]
            d = idx2_loc[pl.ds(2 * (ci * _CHUNK + e) + 1, 16)][0]
            ended = (d != cur) & (cur >= 0)

            @pl.when(ended)
            def _():
                flush(cur, fd, accs)

            out = [d, fd | ended.astype(jnp.int32)]
            for k in range(4):
                qn = (buf.at[2 * e][pl.ds(16 * k, 16)]
                      + buf.at[2 * e + 1][pl.ds(64 + 16 * k, 16)])
                m = jnp.maximum(qn, 0.0) + 1e-7
                w = jnp.exp(m * tv - mv[k])
                a1 = jnp.where(ended, 0.0, accs[k])
                a2 = jnp.where(ended, 0.0, accs[4 + k])
                out.append(a1 + w)
                out.append(a2 + m * w)
            return (out[0], out[1], out[2], out[4], out[6], out[8],
                    out[3], out[5], out[7], out[9])
        return edge_body

    def issue(ci, buf, sm):
        pltpu.async_copy(
            tbl_hbm.at[idx2_loc.at[pl.ds(ci * 2 * _CHUNK, 2 * _CHUNK)]],
            buf, sm)

    def wait_rows(buf, sm):
        pltpu.make_async_copy(
            tbl_hbm.at[idx2_loc.at[pl.ds(0, 2 * _CHUNK)]], buf, sm).wait()

    issue(0, rows, sem)

    def pair_body(i, carry):
        issue(2 * i + 1, rows2, sem2)
        wait_rows(rows, sem)
        carry = lax.fori_loop(0, _CHUNK, make_edge_body(rows, 2 * i), carry)

        @pl.when(i < _NCHUNK // 2 - 1)
        def _():
            issue(2 * i + 2, rows, sem)

        wait_rows(rows2, sem2)
        carry = lax.fori_loop(0, _CHUNK, make_edge_body(rows2, 2 * i + 1),
                              carry)
        return carry

    init = (jnp.int32(-1), jnp.int32(0)) + (z16,) * 8
    fin = lax.fori_loop(0, _NCHUNK // 2, pair_body, init)

    flush(fin[0], fin[1], fin[2:])

    plsc.subcore_barrier()

    @pl.when(s < _NS - 1)
    def _():
        pltpu.sync_copy(table.at[pl.ds(rbase, _RPT)],
                        out_hbm.at[c, pl.ds(rbase, _RPT)])

    @pl.when(s == _NS - 1)
    def _():
        last = (_NS - 1) * _RPT
        pltpu.sync_copy(table.at[pl.ds(last, N + 2 * _NS - last)],
                        out_hbm.at[c, pl.ds(last, N + 2 * _NS - last)])


@functools.partial(jax.jit, static_argnames=())
def _sc_edges(tbl, idx2, mt, tv):
    mesh = plsc.VectorSubcoreMesh(core_axis_name="c", subcore_axis_name="s")
    f = pl.kernel(
        _sc_edge_kernel,
        out_type=jax.ShapeDtypeStruct((_NC, N + 2 * _NS, 128), jnp.float32),
        mesh=mesh,
        scratch_types=[
            pltpu.VMEM((2 * _EPW + 16,), jnp.int32),
            pltpu.VMEM((2 * _CHUNK, 128), jnp.float32),
            pltpu.VMEM((2 * _CHUNK, 128), jnp.float32),
            pltpu.VMEM((1, 128), jnp.float32),
            pltpu.VMEM((1, 128), jnp.float32),
            pltpu.VMEM((H,), jnp.float32),
            pltpu.VMEM((16,), jnp.float32),
            pltpu.VMEM((16, 128), jnp.float32),
            pltpu.VMEM_SHARED((N + 2 * _NS, 128), jnp.float32),
            pltpu.SemaphoreType.DMA,
            pltpu.SemaphoreType.DMA,
        ],
    )
    return f(tbl, idx2, mt, tv)



_B = 2000
_G = N // _B


def _colmax_update(acc, local, g):
    @pl.when(g == 0)
    def _():
        acc[...] = jnp.full((1, H), -1e30, jnp.float32)
    acc[...] = jnp.maximum(acc[...], local)


def _enc_body(aux, xin, Wn, bn, We, be, h0, q0, p, npd, mt, cnpd, accq, accn):
    g = pl.program_id(0)
    xv = xin[...]
    pv = xv @ We[...]
    h = xv @ Wn[...] + bn[...]
    npdv = be[...] - pv
    qv = h + pv
    h0[...] = h
    q0[...] = qv
    p[...] = pv
    npd[...] = npdv
    _colmax_update(accq, jnp.max(qv, axis=0, keepdims=True), g)
    _colmax_update(accn, jnp.max(npdv, axis=0, keepdims=True), g)

    @pl.when(g == _G - 1)
    def _():
        t0 = aux[0]
        cn = accn[...]
        cnpd[...] = cn
        bmsg = jnp.maximum(accq[...] + cn, 0.0) + 1e-7
        mt[...] = jnp.maximum(t0 * bmsg, t0 * 1e-7)


def _encoder(xin, Wn, bn, We, be, t0):
    fullspec = lambda: pl.BlockSpec((None,) * 0)
    out = pl.pallas_call(
        _enc_body,
        grid=(_G,),
        in_specs=[
            pl.BlockSpec(memory_space=pltpu.SMEM),
            pl.BlockSpec((_B, 128), lambda g: (g, 0)),
            pl.BlockSpec((128, H), lambda g: (0, 0)),
            pl.BlockSpec((1, H), lambda g: (0, 0)),
            pl.BlockSpec((128, H), lambda g: (0, 0)),
            pl.BlockSpec((1, H), lambda g: (0, 0)),
        ],
        out_specs=[
            pl.BlockSpec((_B, H), lambda g: (g, 0)),
            pl.BlockSpec((_B, H), lambda g: (g, 0)),
            pl.BlockSpec((_B, H), lambda g: (g, 0)),
            pl.BlockSpec((_B, H), lambda g: (g, 0)),
            pl.BlockSpec((1, H), lambda g: (0, 0)),
            pl.BlockSpec((1, H), lambda g: (0, 0)),
        ],
        out_shape=[
            jax.ShapeDtypeStruct((N, H), jnp.float32),
            jax.ShapeDtypeStruct((N, H), jnp.float32),
            jax.ShapeDtypeStruct((N, H), jnp.float32),
            jax.ShapeDtypeStruct((N, H), jnp.float32),
            jax.ShapeDtypeStruct((1, H), jnp.float32),
            jax.ShapeDtypeStruct((1, H), jnp.float32),
        ],
        scratch_shapes=[pltpu.VMEM((1, H), jnp.float32),
                        pltpu.VMEM((1, H), jnp.float32)],
    )(t0.reshape(1), xin, Wn, bn.reshape(1, H), We, be.reshape(1, H))
    return out


def _conv_tail(aux, Sn, bnd, z, row0, W1i, b1i, g1i, be1i, W2i, b2i):
    St = Sn[0] + Sn[1]
    bv = jnp.concatenate([bnd[0], bnd[1]], axis=0).reshape(2 * _NS, 2, 128)
    bacc = bv[:, 0, :]
    bids = bv[:, 1, 0:1].astype(jnp.int32)
    onehot = (bids == row0 +
              lax.broadcasted_iota(jnp.int32, (2 * _NS, _B), 1)
              ).astype(jnp.float32)
    St = St + lax.dot_general(onehot, bacc, (((0,), (0,)), ((), ())),
                              preferred_element_type=jnp.float32)
    s1 = St[:, :H]
    s2 = St[:, H:]
    agg = s2 / (s1 + 1e-30)
    nrm = jnp.maximum(
        jnp.sqrt(jnp.sum(agg * agg, axis=-1, keepdims=True)), 1e-12)
    xn = jnp.sqrt(jnp.sum(z * z, axis=-1, keepdims=True))
    out = (agg / nrm) * xn * aux[0] + z
    hmid = _ln(out @ W1i + b1i, g1i, be1i)
    return jax.nn.relu(hmid) @ W2i + b2i


def _mid_body(aux, h, z, Sn, bnd, p, cnpd, W1i, b1i, g1i, be1i, W2i, b2i,
              glnn, blnn, hn, zn, qn, mtn, accq, *, first):
    g = pl.program_id(0)
    hd = _conv_tail(aux, Sn[...], bnd[...], z[...], g * _B, W1i[...],
                    b1i[...], g1i[...], be1i[...], W2i[...], b2i[...])
    hnew = hd if first else h[...] + hd
    znew = jax.nn.relu(_ln(hnew, glnn[...], blnn[...]))
    qnew = znew + p[...]
    hn[...] = hnew
    zn[...] = znew
    qn[...] = qnew
    _colmax_update(accq, jnp.max(qnew, axis=0, keepdims=True), g)

    @pl.when(g == _G - 1)
    def _():
        tn = aux[1]
        bmsg = jnp.maximum(accq[...] + cnpd[...], 0.0) + 1e-7
        mtn[...] = jnp.maximum(tn * bmsg, tn * 1e-7)


_vec = lambda r: pl.BlockSpec((1, r), lambda g: (0, 0))


def _mid(h, z, S, p, cnpd, Wb, glnn, blnn, scale_i, t_next, first):
    W1i, b1i, g1i, be1i, W2i, b2i = Wb
    aux = jnp.stack([scale_i, t_next])
    nspec = lambda: pl.BlockSpec((_B, H), lambda g: (g, 0))
    out = pl.pallas_call(
        functools.partial(_mid_body, first=first),
        grid=(_G,),
        in_specs=[
            pl.BlockSpec(memory_space=pltpu.SMEM),
            nspec(), nspec(),
            pl.BlockSpec((_NC, _B, 128), lambda g: (0, g, 0)),
            pl.BlockSpec((_NC, 2 * _NS, 128), lambda g: (0, 0, 0)),
            nspec(), _vec(H),
            pl.BlockSpec((H, 2 * H), lambda g: (0, 0)), _vec(2 * H),
            _vec(2 * H), _vec(2 * H),
            pl.BlockSpec((2 * H, H), lambda g: (0, 0)), _vec(H),
            _vec(H), _vec(H),
        ],
        out_specs=[nspec(), nspec(), nspec(), _vec(H)],
        out_shape=[
            jax.ShapeDtypeStruct((N, H), jnp.float32),
            jax.ShapeDtypeStruct((N, H), jnp.float32),
            jax.ShapeDtypeStruct((N, H), jnp.float32),
            jax.ShapeDtypeStruct((1, H), jnp.float32),
        ],
        scratch_shapes=[pltpu.VMEM((1, H), jnp.float32)],
    )(aux, h, z, S[:, :N], S[:, N:], p, cnpd, W1i, b1i.reshape(1, -1),
      g1i.reshape(1, -1), be1i.reshape(1, -1), W2i, b2i.reshape(1, -1),
      glnn.reshape(1, H), blnn.reshape(1, H))
    return out


def _last_body(aux, h, z, Sn, bnd, W1i, b1i, g1i, be1i, W2i, b2i, gln0,
               bln0, Wlin, blin, y):
    g = pl.program_id(0)
    hd = _conv_tail(aux, Sn[...], bnd[...], z[...], g * _B, W1i[...],
                    b1i[...], g1i[...], be1i[...], W2i[...], b2i[...])
    hnew = h[...] + hd
    hf = jax.nn.relu(_ln(hnew, gln0[...], bln0[...]))
    y[...] = hf @ Wlin[...] + blin[...]


def _last(h, z, S, Wb, gln0, bln0, Wlin, blin, scale_i):
    W1i, b1i, g1i, be1i, W2i, b2i = Wb
    aux = jnp.stack([scale_i, scale_i])
    nspec = lambda: pl.BlockSpec((_B, H), lambda g: (g, 0))
    OUT = Wlin.shape[1]
    return pl.pallas_call(
        _last_body,
        grid=(_G,),
        in_specs=[
            pl.BlockSpec(memory_space=pltpu.SMEM),
            nspec(), nspec(),
            pl.BlockSpec((_NC, _B, 128), lambda g: (0, g, 0)),
            pl.BlockSpec((_NC, 2 * _NS, 128), lambda g: (0, 0, 0)),
            pl.BlockSpec((H, 2 * H), lambda g: (0, 0)), _vec(2 * H),
            _vec(2 * H), _vec(2 * H),
            pl.BlockSpec((2 * H, H), lambda g: (0, 0)), _vec(H),
            _vec(H), _vec(H),
            pl.BlockSpec((H, OUT), lambda g: (0, 0)), _vec(OUT),
        ],
        out_specs=pl.BlockSpec((_B, OUT), lambda g: (g, 0)),
        out_shape=jax.ShapeDtypeStruct((N, OUT), jnp.float32),
    )(aux, h, z, S[:, :N], S[:, N:], W1i, b1i.reshape(1, -1),
      g1i.reshape(1, -1), be1i.reshape(1, -1), W2i, b2i.reshape(1, -1),
      gln0.reshape(1, H), bln0.reshape(1, H), Wlin, blin.reshape(1, -1))



def kernel(x, pos, edge_index, Wn, bn, We, be, t, scale, W1, b1, g1, be1,
           W2, b2, gln, bln, Wlin, blin):
    xin = jnp.concatenate([x, jax.lax.stop_gradient(pos)], axis=-1)
    src = edge_index[1]
    dst = edge_index[0]
    perm = jnp.argsort(dst)
    ssrc = src[perm]
    sdst = dst[perm]
    idx2 = jnp.stack([ssrc, sdst], axis=1).reshape(-1)

    h, q, p, npd, mt, cnpd = _encoder(xin, Wn, bn, We, be, t[0])
    z = h

    for i in range(L):
        tbl = jnp.concatenate([q, npd], axis=1)
        tv = jnp.broadcast_to(t[i], (16,)).astype(jnp.float32)
        S = _sc_edges(tbl, idx2, mt.reshape(H), tv)
        Wb = (W1[i], b1[i], g1[i], be1[i], W2[i], b2[i])
        if i < L - 1:
            h, z, q, mt = _mid(h, z, S, p, cnpd, Wb, gln[i + 1], bln[i + 1],
                               scale[i], t[i + 1], first=(i == 0))
        else:
            y = _last(h, z, S, Wb, gln[0], bln[0], Wlin, blin, scale[i])
    return y

# --- scband reference (transcript-rebuilt; emitter-appended) ---
"""Pipeline reference for scband-deeper-gcn-40286793236953 (READ-ONLY COPY).

The authoritative reference and input builder live on the scoring server;
editing this copy changes nothing except your own understanding.
"""

import jax, jax.numpy as jnp
import numpy as np

N = 10000
E = 320000
IN = 128
H = 64
OUT = 128
L = 28


def setup_inputs(seed: int = 0):
    key = jax.random.key(seed)
    ks = jax.random.split(key, 12)
    s = 0.05
    inp = {}
    inp["x"] = jax.random.normal(ks[0], (N, 125), dtype=jnp.float32)
    inp["pos"] = jax.random.normal(ks[1], (N, 3), dtype=jnp.float32)
    inp["edge_index"] = jax.random.randint(ks[2], (2, E), 0, N, dtype=jnp.int32)
    inp["Wn"] = jax.random.normal(ks[3], (IN, H), dtype=jnp.float32) * s
    inp["bn"] = jnp.zeros((H,), jnp.float32)
    inp["We"] = jax.random.normal(ks[4], (IN, H), dtype=jnp.float32) * s
    inp["be"] = jnp.zeros((H,), jnp.float32)
    inp["t"] = jnp.ones((L,), jnp.float32)
    inp["scale"] = jnp.ones((L,), jnp.float32)
    inp["W1"] = jax.random.normal(ks[5], (L, H, 2 * H), dtype=jnp.float32) * s
    inp["b1"] = jnp.zeros((L, 2 * H), jnp.float32)
    inp["g1"] = jnp.ones((L, 2 * H), jnp.float32)
    inp["be1"] = jnp.zeros((L, 2 * H), jnp.float32)
    inp["W2"] = jax.random.normal(ks[6], (L, 2 * H, H), dtype=jnp.float32) * s
    inp["b2"] = jnp.zeros((L, H), jnp.float32)
    inp["gln"] = jnp.ones((L, H), jnp.float32)
    inp["bln"] = jnp.zeros((L, H), jnp.float32)
    inp["Wlin"] = jax.random.normal(ks[7], (H, OUT), dtype=jnp.float32) * s
    inp["blin"] = jnp.zeros((OUT,), jnp.float32)
    return inp


def _layer_norm(h, g, b, eps=1e-5):
    mu = jnp.mean(h, axis=-1, keepdims=True)
    var = jnp.mean((h - mu) ** 2, axis=-1, keepdims=True)
    return (h - mu) / jnp.sqrt(var + eps) * g + b


def _gen_conv(x, src, dst, edge_attr, t, scale, W1, b1, g1, be1, W2, b2):
    # GENConv, aggr='softmax', learn_t, msg_norm, flow='target_to_source'
    msg = x[src] + edge_attr
    msg = jax.nn.relu(msg) + 1e-7
    logits = msg * t
    seg_max = jax.ops.segment_max(logits, dst, num_segments=N)
    seg_max = jnp.where(jnp.isfinite(seg_max), seg_max, 0.0)
    ex = jnp.exp(logits - seg_max[dst])
    denom = jax.ops.segment_sum(ex, dst, num_segments=N)
    alpha = ex / (denom[dst] + 1e-16)
    agg = jax.ops.segment_sum(msg * alpha, dst, num_segments=N)
    # MessageNorm with learnable scale
    nrm = jnp.maximum(jnp.linalg.norm(agg, axis=-1, keepdims=True), 1e-12)
    x_norm = jnp.linalg.norm(x, axis=-1, keepdims=True)
    out = (agg / nrm) * x_norm * scale
    out = out + x
    # 2-layer MLP with LayerNorm + ReLU between (plain last layer)
    h = _layer_norm(out @ W1 + b1, g1, be1)
    h = jax.nn.relu(h)
    return h @ W2 + b2


def reference(x, pos, edge_index, Wn, bn, We, be, t, scale, W1, b1, g1, be1, W2, b2, gln, bln, Wlin, blin):
    xin = jnp.concatenate([x, jax.lax.stop_gradient(pos)], axis=-1)
    src = edge_index[1]
    dst = edge_index[0]
    ea = xin[src] - xin[dst]
    h = xin @ Wn + bn
    ea = ea @ We + be
    h = _gen_conv(h, src, dst, ea, t[0], scale[0], W1[0], b1[0], g1[0], be1[0], W2[0], b2[0])
    for i in range(1, L):
        # DeepGCNLayer block='res+': norm -> act -> (dropout=identity at eval) -> conv -> residual
        z = _layer_norm(h, gln[i], bln[i])
        z = jax.nn.relu(z)
        z = _gen_conv(z, src, dst, ea, t[i], scale[i], W1[i], b1[i], g1[i], be1[i], W2[i], b2[i])
        h = h + z
    h = jax.nn.relu(_layer_norm(h, gln[0], bln[0]))
    y = h @ Wlin + blin
    return y

if __name__ == "__main__":
    import jax
    _d = setup_inputs()
    print(jax.jit(kernel)(*tuple(_d.values())))

</pallas_src>

<mosaic_0001>
#map = affine_map<(d0, d1) -> (0, 0)>
#map1 = affine_map<(d0, d1) -> (0)>
#map2 = affine_map<(d0, d1) -> (0, 0, 0)>
module attributes {stable_mosaic.version = 14 : i64} {
  func.func @_sc_edge_kernel(%arg0: i32, %arg1: i32, %arg2: memref<10000x128xf32, #tpu.memory_space<hbm>>, %arg3: memref<640000xi32, #tpu.memory_space<hbm>>, %arg4: memref<64xf32, #tpu.memory_space<hbm>>, %arg5: memref<16xf32, #tpu.memory_space<hbm>>, %arg6: memref<2x10032x128xf32, #tpu.memory_space<hbm>>, %arg7: memref<20016xi32, #tpu.memory_space<vmem>>, %arg8: memref<80x128xf32, #tpu.memory_space<vmem>>, %arg9: memref<80x128xf32, #tpu.memory_space<vmem>>, %arg10: memref<1x128xf32, #tpu.memory_space<vmem>>, %arg11: memref<1x128xf32, #tpu.memory_space<vmem>>, %arg12: memref<64xf32, #tpu.memory_space<vmem>>, %arg13: memref<16xf32, #tpu.memory_space<vmem>>, %arg14: memref<16x128xf32, #tpu.memory_space<vmem>>, %arg15: memref<10032x128xf32, #tpu.memory_space<vmem_shared>>, %arg16: memref<!tpu.dma_semaphore, #tpu.memory_space<semaphore_mem>>, %arg17: memref<!tpu.dma_semaphore, #tpu.memory_space<semaphore_mem>>) attributes {dimension_semantics = [#tpu.dimension_semantics<core_parallel>, #tpu.dimension_semantics<subcore_parallel>], iteration_bounds = array<i64: 2, 16>, scalar_prefetch = 0 : i64, scratch_operands = 11 : i64, tpu.core_type = #tpu.core_type<sc_vector_subcore>, window_params = [{transform_indices = #map}, {transform_indices = #map1}, {transform_indices = #map1}, {transform_indices = #map1}, {transform_indices = #map2}]} {
    %mul3A = arith.constant 16 : i32
    %mul3A_0 = arith.muli %arg0, %mul3A : i32
    %add3A = arith.addi %mul3A_0, %arg1 : i32
    %mul3A_1 = arith.constant 10000 : i32
    %mul3A_2 = arith.muli %add3A, %mul3A_1 : i32
    %mul3A_3 = arith.constant 624 : i32
    %mul3A_4 = arith.muli %arg1, %mul3A_3 : i32
    %eq3A = arith.constant 15 : i32
    %eq3A_5 = arith.cmpi eq, %arg1, %eq3A : i32
    %jit3A = arith.constant 640 : i32
    %jit3A_6 = arith.constant 624 : i32
    %select_n3A = arith.select %eq3A_5, %jit3A, %jit3A_6 : i32
    %scan3A = arith.constant 0 : i32
    %scan3A_7 = arith.constant 0 : i32
    %scan3A_8 = arith.constant 16 : i32
    %scan3A_9 = arith.addi %scan3A_7, %scan3A_8 : i32
    %scan3A_10 = arith.constant 1 : i32
    %scan3A_11 = scf.for %scan3A_152 = %scan3A_7 to %scan3A_9 step %scan3A_10 iter_args(%scan3A_153 = %scan3A) -> (i32)  : i32 {
      %broadcast_in_dim3A_154 = arith.constant 0.000000e+00 : f32
      %broadcast_in_dim3A_155 = vector.broadcast %broadcast_in_dim3A_154 : f32 to vector<16xf32>
      %swap3A_156 = arith.constant 0 : i32
      %swap3A_157 = tpu.memref_slice %arg14[%scan3A_152, %swap3A_156] : memref<16x128xf32, #tpu.memory_space<vmem>> -> memref<1x128xf32, #tpu.memory_space<vmem>>
      %swap3A_158 = tpu.memref_squeeze %swap3A_157 : memref<1x128xf32, #tpu.memory_space<vmem>> -> memref<128xf32, #tpu.memory_space<vmem>>
      %swap3A_159 = arith.constant 0 : index
      %swap3A_160 = tpu.vector_load %swap3A_158[%swap3A_159] {strides = array<i32>} : memref<128xf32, #tpu.memory_space<vmem>>, vector<16xf32>,
      %swap3A_161 = vector.shape_cast %swap3A_160 : vector<16xf32> to vector<16xf32>
      %swap3A_162 = vector.shape_cast %broadcast_in_dim3A_155 : vector<16xf32> to vector<16xf32>
      tpu.vector_store %swap3A_158[%swap3A_159], %swap3A_162 {strides = array<i32>} : memref<128xf32, #tpu.memory_space<vmem>>, vector<16xf32>,
      %broadcast_in_dim3A_163 = arith.constant 0.000000e+00 : f32
      %broadcast_in_dim3A_164 = vector.broadcast %broadcast_in_dim3A_163 : f32 to vector<16xf32>
      %swap3A_165 = arith.constant 0 : i32
      %swap3A_166 = tpu.memref_slice %arg14[%scan3A_152, %swap3A_165] : memref<16x128xf32, #tpu.memory_space<vmem>> -> memref<1x128xf32, #tpu.memory_space<vmem>>
      %swap3A_167 = tpu.memref_squeeze %swap3A_166 : memref<1x128xf32, #tpu.memory_space<vmem>> -> memref<128xf32, #tpu.memory_space<vmem>>
      %swap3A_168 = arith.constant 16 : index
      %swap3A_169 = tpu.vector_load %swap3A_167[%swap3A_168] {strides = array<i32>} : memref<128xf32, #tpu.memory_space<vmem>>, vector<16xf32>,
      %swap3A_170 = vector.shape_cast %swap3A_169 : vector<16xf32> to vector<16xf32>
      %swap3A_171 = vector.shape_cast %broadcast_in_dim3A_164 : vector<16xf32> to vector<16xf32>
      tpu.vector_store %swap3A_167[%swap3A_168], %swap3A_171 {strides = array<i32>} : memref<128xf32, #tpu.memory_space<vmem>>, vector<16xf32>,
      %broadcast_in_dim3A_172 = arith.constant 0.000000e+00 : f32
      %broadcast_in_dim3A_173 = vector.broadcast %broadcast_in_dim3A_172 : f32 to vector<16xf32>
      %swap3A_174 = arith.constant 0 : i32
      %swap3A_175 = tpu.memref_slice %arg14[%scan3A_152, %swap3A_174] : memref<16x128xf32, #tpu.memory_space<vmem>> -> memref<1x128xf32, #tpu.memory_space<vmem>>
      %swap3A_176 = tpu.memref_squeeze %swap3A_175 : memref<1x128xf32, #tpu.memory_space<vmem>> -> memref<128xf32, #tpu.memory_space<vmem>>
      %swap3A_177 = arith.constant 32 : index
      %swap3A_178 = tpu.vector_load %swap3A_176[%swap3A_177] {strides = array<i32>} : memref<128xf32, #tpu.memory_space<vmem>>, vector<16xf32>,
      %swap3A_179 = vector.shape_cast %swap3A_178 : vector<16xf32> to vector<16xf32>
      %swap3A_180 = vector.shape_cast %broadcast_in_dim3A_173 : vector<16xf32> to vector<16xf32>
      tpu.vector_store %swap3A_176[%swap3A_177], %swap3A_180 {strides = array<i32>} : memref<128xf32, #tpu.memory_space<vmem>>, vector<16xf32>,
      %broadcast_in_dim3A_181 = arith.constant 0.000000e+00 : f32
      %broadcast_in_dim3A_182 = vector.broadcast %broadcast_in_dim3A_181 : f32 to vector<16xf32>
      %swap3A_183 = arith.constant 0 : i32
      %swap3A_184 = tpu.memref_slice %arg14[%scan3A_152, %swap3A_183] : memref<16x128xf32, #tpu.memory_space<vmem>> -> memref<1x128xf32, #tpu.memory_space<vmem>>
      %swap3A_185 = tpu.memref_squeeze %swap3A_184 : memref<1x128xf32, #tpu.memory_space<vmem>> -> memref<128xf32, #tpu.memory_space<vmem>>
      %swap3A_186 = arith.constant 48 : index
      %swap3A_187 = tpu.vector_load %swap3A_185[%swap3A_186] {strides = array<i32>} : memref<128xf32, #tpu.memory_space<vmem>>, vector<16xf32>,
      %swap3A_188 = vector.shape_cast %swap3A_187 : vector<16xf32> to vector<16xf32>
      %swap3A_189 = vector.shape_cast %broadcast_in_dim3A_182 : vector<16xf32> to vector<16xf32>
      tpu.vector_store %swap3A_185[%swap3A_186], %swap3A_189 {strides = array<i32>} : memref<128xf32, #tpu.memory_space<vmem>>, vector<16xf32>,
      %broadcast_in_dim3A_190 = arith.constant 0.000000e+00 : f32
      %broadcast_in_dim3A_191 = vector.broadcast %broadcast_in_dim3A_190 : f32 to vector<16xf32>
      %swap3A_192 = arith.constant 0 : i32
      %swap3A_193 = tpu.memref_slice %arg14[%scan3A_152, %swap3A_192] : memref<16x128xf32, #tpu.memory_space<vmem>> -> memref<1x128xf32, #tpu.memory_space<vmem>>
      %swap3A_194 = tpu.memref_squeeze %swap3A_193 : memref<1x128xf32, #tpu.memory_space<vmem>> -> memref<128xf32, #tpu.memory_space<vmem>>
      %swap3A_195 = arith.constant 64 : index
      %swap3A_196 = tpu.vector_load %swap3A_194[%swap3A_195] {strides = array<i32>} : memref<128xf32, #tpu.memory_space<vmem>>, vector<16xf32>,
      %swap3A_197 = vector.shape_cast %swap3A_196 : vector<16xf32> to vector<16xf32>
      %swap3A_198 = vector.shape_cast %broadcast_in_dim3A_191 : vector<16xf32> to vector<16xf32>
      tpu.vector_store %swap3A_194[%swap3A_195], %swap3A_198 {strides = array<i32>} : memref<128xf32, #tpu.memory_space<vmem>>, vector<16xf32>,
      %broadcast_in_dim3A_199 = arith.constant 0.000000e+00 : f32
      %broadcast_in_dim3A_200 = vector.broadcast %broadcast_in_dim3A_199 : f32 to vector<16xf32>
      %swap3A_201 = arith.constant 0 : i32
      %swap3A_202 = tpu.memref_slice %arg14[%scan3A_152, %swap3A_201] : memref<16x128xf32, #tpu.memory_space<vmem>> -> memref<1x128xf32, #tpu.memory_space<vmem>>
      %swap3A_203 = tpu.memref_squeeze %swap3A_202 : memref<1x128xf32, #tpu.memory_space<vmem>> -> memref<128xf32, #tpu.memory_space<vmem>>
      %swap3A_204 = arith.constant 80 : index
      %swap3A_205 = tpu.vector_load %swap3A_203[%swap3A_204] {strides = array<i32>} : memref<128xf32, #tpu.memory_space<vmem>>, vector<16xf32>,
      %swap3A_206 = vector.shape_cast %swap3A_205 : vector<16xf32> to vector<16xf32>
      %swap3A_207 = vector.shape_cast %broadcast_in_dim3A_200 : vector<16xf32> to vector<16xf32>
      tpu.vector_store %swap3A_203[%swap3A_204], %swap3A_207 {strides = array<i32>} : memref<128xf32, #tpu.memory_space<vmem>>, vector<16xf32>,
      %broadcast_in_dim3A_208 = arith.constant 0.000000e+00 : f32
      %broadcast_in_dim3A_209 = vector.broadcast %broadcast_in_dim3A_208 : f32 to vector<16xf32>
      %swap3A_210 = arith.constant 0 : i32
      %swap3A_211 = tpu.memref_slice %arg14[%scan3A_152, %swap3A_210] : memref<16x128xf32, #tpu.memory_space<vmem>> -> memref<1x128xf32, #tpu.memory_space<vmem>>
      %swap3A_212 = tpu.memref_squeeze %swap3A_211 : memref<1x128xf32, #tpu.memory_space<vmem>> -> memref<128xf32, #tpu.memory_space<vmem>>
      %swap3A_213 = arith.constant 96 : index
      %swap3A_214 = tpu.vector_load %swap3A_212[%swap3A_213] {strides = array<i32>} : memref<128xf32, #tpu.memory_space<vmem>>, vector<16xf32>,
      %swap3A_215 = vector.shape_cast %swap3A_214 : vector<16xf32> to vector<16xf32>
      %swap3A_216 = vector.shape_cast %broadcast_in_dim3A_209 : vector<16xf32> to vector<16xf32>
      tpu.vector_store %swap3A_212[%swap3A_213], %swap3A_216 {strides = array<i32>} : memref<128xf32, #tpu.memory_space<vmem>>, vector<16xf32>,
      %broadcast_in_dim3A_217 = arith.constant 0.000000e+00 : f32
      %broadcast_in_dim3A_218 = vector.broadcast %broadcast_in_dim3A_217 : f32 to vector<16xf32>
      %swap3A_219 = arith.constant 0 : i32
      %swap3A_220 = tpu.memref_slice %arg14[%scan3A_152, %swap3A_219] : memref<16x128xf32, #tpu.memory_space<vmem>> -> memref<1x128xf32, #tpu.memory_space<vmem>>
      %swap3A_221 = tpu.memref_squeeze %swap3A_220 : memref<1x128xf32, #tpu.memory_space<vmem>> -> memref<128xf32, #tpu.memory_space<vmem>>
      %swap3A_222 = arith.constant 112 : index
      %swap3A_223 = tpu.vector_load %swap3A_221[%swap3A_222] {strides = array<i32>} : memref<128xf32, #tpu.memory_space<vmem>>, vector<16xf32>,
      %swap3A_224 = vector.shape_cast %swap3A_223 : vector<16xf32> to vector<16xf32>
      %swap3A_225 = vector.shape_cast %broadcast_in_dim3A_218 : vector<16xf32> to vector<16xf32>
      tpu.vector_store %swap3A_221[%swap3A_222], %swap3A_225 {strides = array<i32>} : memref<128xf32, #tpu.memory_space<vmem>>, vector<16xf32>,
      %scan3A_226 = arith.constant 0 : i32
      scf.yield %scan3A_226 : i32
    }
    %scan3A_12 = arith.constant 16 : i32
    %jit3A_13 = arith.constant 16 : i32
    %div3A = arith.divsi %select_n3A, %jit3A_13 : i32
    %sign3A = arith.constant 0 : i32
    %sign3A_14 = arith.cmpi sgt, %select_n3A, %sign3A : i32
    %sign3A_15 = arith.extui %sign3A_14 : i1 to i32
    %sign3A_16 = arith.constant 0 : i32
    %sign3A_17 = arith.cmpi slt, %select_n3A, %sign3A_16 : i32
    %sign3A_18 = arith.extui %sign3A_17 : i1 to i32
    %sign3A_19 = arith.subi %sign3A_15, %sign3A_18 : i32
    %sign3A_20 = arith.constant 0 : i32
    %sign3A_21 = arith.cmpi sgt, %jit3A_13, %sign3A_20 : i32
    %sign3A_22 = arith.extui %sign3A_21 : i1 to i32
    %sign3A_23 = arith.constant 0 : i32
    %sign3A_24 = arith.cmpi slt, %jit3A_13, %sign3A_23 : i32
    %sign3A_25 = arith.extui %sign3A_24 : i1 to i32
    %sign3A_26 = arith.subi %sign3A_22, %sign3A_25 : i32
    %ne3A = arith.cmpi ne, %sign3A_19, %sign3A_26 : i32
    %rem3A = arith.remsi %select_n3A, %jit3A_13 : i32
    %ne3A_27 = arith.constant 0 : i32
    %ne3A_28 = arith.cmpi ne, %rem3A, %ne3A_27 : i32
    %and3A = arith.andi %ne3A, %ne3A_28 : i1
    %sub3A = arith.constant 1 : i32
    %sub3A_29 = arith.subi %div3A, %sub3A : i32
    %select_n3A_30 = arith.select %and3A, %sub3A_29, %div3A : i32
    %while3A = arith.constant 0 : i32
    %while3A_31 = arith.constant 0 : i32
    %while3A_32 = arith.subi %select_n3A_30, %while3A : i32
    %while3A_33 = arith.addi %while3A, %while3A_32 : i32
    %while3A_34 = arith.constant 1 : i32
    %while3A_35 = arith.divsi %while3A_32, %while3A_34 : i32
    %while3A_36 = arith.muli %while3A_35, %while3A_34 : i32
    %while3A_37 = arith.addi %while3A, %while3A_36 : i32
    %while3A_38 = arith.constant 1 : i32
    %while3A_39 = scf.for %while3A_152 = %while3A to %while3A_37 step %while3A_38 iter_args(%while3A_153 = %while3A_31) -> (i32)  : i32 {
      %mul3A_154 = arith.constant 16 : i32
      %mul3A_155 = arith.muli %while3A_152, %mul3A_154 : i32
      %add3A_156 = arith.addi %mul3A_4, %mul3A_155 : i32
      "tpu.region"() ({
        %run_scoped3A = tpu.sem_alloc : memref<!tpu.dma_semaphore, #tpu.memory_space<semaphore_mem>>
        %dma_start3A_158 = arith.constant 0 : i32
        %dma_start3A_159 = tpu.memref_slice %arg15[%add3A_156, %dma_start3A_158] : memref<10032x128xf32, #tpu.memory_space<vmem_shared>> -> memref<16x128xf32, #tpu.memory_space<vmem_shared>>
        %dma_start3A_160 = arith.constant 0 : i32
        %dma_start3A_161 = tpu.memref_slice %arg15[%add3A_156, %dma_start3A_160] : memref<10032x128xf32, #tpu.memory_space<vmem_shared>> -> memref<16x128xf32, #tpu.memory_space<vmem_shared>>
        tpu.enqueue_dma source(%arg14 : memref<16x128xf32, #tpu.memory_space<vmem>>) target(%dma_start3A_161 : memref<16x128xf32, #tpu.memory_space<vmem_shared>>) target_semaphore(%run_scoped3A : memref<!tpu.dma_semaphore, #tpu.memory_space<semaphore_mem>>)
        %dma_wait3A = arith.constant 0 : i32
        %dma_wait3A_162 = tpu.memref_slice %arg15[%add3A_156, %dma_wait3A] : memref<10032x128xf32, #tpu.memory_space<vmem_shared>> -> memref<16x128xf32, #tpu.memory_space<vmem_shared>>
        %dma_wait3A_163 = arith.constant 0 : i32
        %dma_wait3A_164 = tpu.memref_slice %arg15[%add3A_156, %dma_wait3A_163] : memref<10032x128xf32, #tpu.memory_space<vmem_shared>> -> memref<16x128xf32, #tpu.memory_space<vmem_shared>>
        tpu.wait_dma2 semaphore(%run_scoped3A : memref<!tpu.dma_semaphore, #tpu.memory_space<semaphore_mem>>) src(%arg14 : memref<16x128xf32, #tpu.memory_space<vmem>>) dst(%dma_wait3A_164 : memref<16x128xf32, #tpu.memory_space<vmem_shared>>)
        tpu.yield
      }) : () -> ()
      %while3A_157 = arith.constant 0 : i32
      scf.yield %while3A_157 : i32
    }
    %while3A_40 = arith.constant 1 : i32
    %while3A_41 = scf.for %while3A_152 = %while3A_37 to %while3A_33 step %while3A_40 iter_args(%while3A_153 = %while3A_39) -> (i32)  : i32 {
      %mul3A_154 = arith.constant 16 : i32
      %mul3A_155 = arith.muli %while3A_152, %mul3A_154 : i32
      %add3A_156 = arith.addi %mul3A_4, %mul3A_155 : i32
      "tpu.region"() ({
        %run_scoped3A = tpu.sem_alloc : memref<!tpu.dma_semaphore, #tpu.memory_space<semaphore_mem>>
        %dma_start3A_158 = arith.constant 0 : i32
        %dma_start3A_159 = tpu.memref_slice %arg15[%add3A_156, %dma_start3A_158] : memref<10032x128xf32, #tpu.memory_space<vmem_shared>> -> memref<16x128xf32, #tpu.memory_space<vmem_shared>>
        %dma_start3A_160 = arith.constant 0 : i32
        %dma_start3A_161 = tpu.memref_slice %arg15[%add3A_156, %dma_start3A_160] : memref<10032x128xf32, #tpu.memory_space<vmem_shared>> -> memref<16x128xf32, #tpu.memory_space<vmem_shared>>
        tpu.enqueue_dma source(%arg14 : memref<16x128xf32, #tpu.memory_space<vmem>>) target(%dma_start3A_161 : memref<16x128xf32, #tpu.memory_space<vmem_shared>>) target_semaphore(%run_scoped3A : memref<!tpu.dma_semaphore, #tpu.memory_space<semaphore_mem>>)
        %dma_wait3A = arith.constant 0 : i32
        %dma_wait3A_162 = tpu.memref_slice %arg15[%add3A_156, %dma_wait3A] : memref<10032x128xf32, #tpu.memory_space<vmem_shared>> -> memref<16x128xf32, #tpu.memory_space<vmem_shared>>
        %dma_wait3A_163 = arith.constant 0 : i32
        %dma_wait3A_164 = tpu.memref_slice %arg15[%add3A_156, %dma_wait3A_163] : memref<10032x128xf32, #tpu.memory_space<vmem_shared>> -> memref<16x128xf32, #tpu.memory_space<vmem_shared>>
        tpu.wait_dma2 semaphore(%run_scoped3A : memref<!tpu.dma_semaphore, #tpu.memory_space<semaphore_mem>>) src(%arg14 : memref<16x128xf32, #tpu.memory_space<vmem>>) dst(%dma_wait3A_164 : memref<16x128xf32, #tpu.memory_space<vmem_shared>>)
        tpu.yield
      }) : () -> ()
      %while3A_157 = arith.constant 0 : i32
      scf.yield %while3A_157 : i32
    }
    %mul3A_42 = arith.constant 2 : i32
    %mul3A_43 = arith.muli %mul3A_42, %mul3A_2 : i32
    "tpu.region"() ({
      %run_scoped3A = tpu.sem_alloc : memref<!tpu.dma_semaphore, #tpu.memory_space<semaphore_mem>>
      %dma_start3A_152 = arith.constant 0 : i32
      %dma_start3A_153 = tpu.memref_slice %arg7[%dma_start3A_152] : memref<20016xi32, #tpu.memory_space<vmem>> -> memref<20000xi32, #tpu.memory_space<vmem>>
      %dma_start3A_154 = tpu.memref_slice %arg3[%mul3A_43] : memref<640000xi32, #tpu.memory_space<hbm>> -> memref<20000xi32, #tpu.memory_space<hbm>>
      %dma_start3A_155 = arith.constant 0 : i32
      %dma_start3A_156 = tpu.memref_slice %arg7[%dma_start3A_155] : memref<20016xi32, #tpu.memory_space<vmem>> -> memref<20000xi32, #tpu.memory_space<vmem>>
      %dma_start3A_157 = tpu.memref_slice %arg3[%mul3A_43] : memref<640000xi32, #tpu.memory_space<hbm>> -> memref<20000xi32, #tpu.memory_space<hbm>>
      tpu.enqueue_dma source(%dma_start3A_157 : memref<20000xi32, #tpu.memory_space<hbm>>) target(%dma_start3A_156 : memref<20000xi32, #tpu.memory_space<vmem>>) target_semaphore(%run_scoped3A : memref<!tpu.dma_semaphore, #tpu.memory_space<semaphore_mem>>)
      %dma_wait3A = arith.constant 0 : i32
      %dma_wait3A_158 = tpu.memref_slice %arg7[%dma_wait3A] : memref<20016xi32, #tpu.memory_space<vmem>> -> memref<20000xi32, #tpu.memory_space<vmem>>
      %dma_wait3A_159 = tpu.memref_slice %arg3[%mul3A_43] : memref<640000xi32, #tpu.memory_space<hbm>> -> memref<20000xi32, #tpu.memory_space<hbm>>
      %dma_wait3A_160 = arith.constant 0 : i32
      %dma_wait3A_161 = tpu.memref_slice %arg7[%dma_wait3A_160] : memref<20016xi32, #tpu.memory_space<vmem>> -> memref<20000xi32, #tpu.memory_space<vmem>>
      %dma_wait3A_162 = tpu.memref_slice %arg3[%mul3A_43] : memref<640000xi32, #tpu.memory_space<hbm>> -> memref<20000xi32, #tpu.memory_space<hbm>>
      tpu.wait_dma2 semaphore(%run_scoped3A : memref<!tpu.dma_semaphore, #tpu.memory_space<semaphore_mem>>) src(%dma_wait3A_162 : memref<20000xi32, #tpu.memory_space<hbm>>) dst(%dma_wait3A_161 : memref<20000xi32, #tpu.memory_space<vmem>>)
      tpu.yield
    }) : () -> ()
    "tpu.region"() ({
      %run_scoped3A = tpu.sem_alloc : memref<!tpu.dma_semaphore, #tpu.memory_space<semaphore_mem>>
      tpu.enqueue_dma source(%arg4 : memref<64xf32, #tpu.memory_space<hbm>>) target(%arg12 : memref<64xf32, #tpu.memory_space<vmem>>) target_semaphore(%run_scoped3A : memref<!tpu.dma_semaphore, #tpu.memory_space<semaphore_mem>>)
      tpu.wait_dma2 semaphore(%run_scoped3A : memref<!tpu.dma_semaphore, #tpu.memory_space<semaphore_mem>>) src(%arg4 : memref<64xf32, #tpu.memory_space<hbm>>) dst(%arg12 : memref<64xf32, #tpu.memory_space<vmem>>)
      tpu.yield
    }) : () -> ()
    "tpu.region"() ({
      %run_scoped3A = tpu.sem_alloc : memref<!tpu.dma_semaphore, #tpu.memory_space<semaphore_mem>>
      tpu.enqueue_dma source(%arg5 : memref<16xf32, #tpu.memory_space<hbm>>) target(%arg13 : memref<16xf32, #tpu.memory_space<vmem>>) target_semaphore(%run_scoped3A : memref<!tpu.dma_semaphore, #tpu.memory_space<semaphore_mem>>)
      tpu.wait_dma2 semaphore(%run_scoped3A : memref<!tpu.dma_semaphore, #tpu.memory_space<semaphore_mem>>) src(%arg5 : memref<16xf32, #tpu.memory_space<hbm>>) dst(%arg13 : memref<16xf32, #tpu.memory_space<vmem>>)
      tpu.yield
    }) : () -> ()
    %barrier3A = arith.constant 0 : index
    tpu.barrier barrier_id(%barrier3A)
    %get3A = arith.constant 0 : index
    %get3A_44 = tpu.vector_load %arg13[%get3A] {strides = array<i32>} : memref<16xf32, #tpu.memory_space<vmem>>, vector<16xf32>,
    %get3A_45 = vector.shape_cast %get3A_44 : vector<16xf32> to vector<16xf32>
    %get3A_46 = arith.constant 0 : index
    %get3A_47 = tpu.vector_load %arg12[%get3A_46] {strides = array<i32>} : memref<64xf32, #tpu.memory_space<vmem>>, vector<16xf32>,
    %get3A_48 = vector.shape_cast %get3A_47 : vector<16xf32> to vector<16xf32>
    %get3A_49 = arith.constant 16 : index
    %get3A_50 = tpu.vector_load %arg12[%get3A_49] {strides = array<i32>} : memref<64xf32, #tpu.memory_space<vmem>>, vector<16xf32>,
    %get3A_51 = vector.shape_cast %get3A_50 : vector<16xf32> to vector<16xf32>
    %get3A_52 = arith.constant 32 : index
    %get3A_53 = tpu.vector_load %arg12[%get3A_52] {strides = array<i32>} : memref<64xf32, #tpu.memory_space<vmem>>, vector<16xf32>,
    %get3A_54 = vector.shape_cast %get3A_53 : vector<16xf32> to vector<16xf32>
    %get3A_55 = arith.constant 48 : index
    %get3A_56 = tpu.vector_load %arg12[%get3A_55] {strides = array<i32>} : memref<64xf32, #tpu.memory_space<vmem>>, vector<16xf32>,
    %get3A_57 = vector.shape_cast %get3A_56 : vector<16xf32> to vector<16xf32>
    %broadcast_in_dim3A = arith.constant 0.000000e+00 : f32
    %broadcast_in_dim3A_58 = vector.broadcast %broadcast_in_dim3A : f32 to vector<16xf32>
    %dma_start3A = arith.constant 0 : i32
    %dma_start3A_59 = tpu.memref_slice %arg7[%dma_start3A] : memref<20016xi32, #tpu.memory_space<vmem>> -> memref<80xi32, #tpu.memory_space<vmem>>
    %dma_start3A_60 = arith.constant 0 : i32
    %dma_start3A_61 = arith.constant 0 : i32
    %dma_start3A_62 = tpu.memref_slice %arg2[%dma_start3A_60, %dma_start3A_61] : memref<10000x128xf32, #tpu.memory_space<hbm>> -> memref<10000x128xf32, #tpu.memory_space<hbm>>
    tpu.enqueue_indirect_dma source(%dma_start3A_62 : memref<10000x128xf32, #tpu.memory_space<hbm>>) target(%arg8 : memref<80x128xf32, #tpu.memory_space<vmem>>) offsets(%dma_start3A_59 : memref<80xi32, #tpu.memory_space<vmem>>) semaphore(%arg16 : memref<!tpu.dma_semaphore, #tpu.memory_space<semaphore_mem>>)
    %scan3A_63 = arith.constant -1 : i32
    %scan3A_64 = arith.constant 0 : i32
    %scan3A_65 = arith.constant 0 : i32
    %scan3A_66 = arith.constant 125 : i32
    %scan3A_67 = arith.addi %scan3A_65, %scan3A_66 : i32
    %scan3A_68 = arith.constant 1 : i32
    %scan3A_69:10 = scf.for %scan3A_152 = %scan3A_65 to %scan3A_67 step %scan3A_68 iter_args(%scan3A_153 = %scan3A_63, %scan3A_154 = %scan3A_64, %scan3A_155 = %broadcast_in_dim3A_58, %scan3A_156 = %broadcast_in_dim3A_58, %scan3A_157 = %broadcast_in_dim3A_58, %scan3A_158 = %broadcast_in_dim3A_58, %scan3A_159 = %broadcast_in_dim3A_58, %scan3A_160 = %broadcast_in_dim3A_58, %scan3A_161 = %broadcast_in_dim3A_58, %scan3A_162 = %broadcast_in_dim3A_58) -> (i32, i32, vector<16xf32>, vector<16xf32>, vector<16xf32>, vector<16xf32>, vector<16xf32>, vector<16xf32>, vector<16xf32>, vector<16xf32>)  : i32 {
      %mul3A_163 = arith.constant 2 : i32
      %mul3A_164 = arith.muli %mul3A_163, %scan3A_152 : i32
      %add3A_165 = arith.constant 1 : i32
      %add3A_166 = arith.addi %mul3A_164, %add3A_165 : i32
      %mul3A_167 = arith.constant 2 : i32
      %mul3A_168 = arith.muli %add3A_166, %mul3A_167 : i32
      %mul3A_169 = arith.constant 40 : i32
      %mul3A_170 = arith.muli %mul3A_168, %mul3A_169 : i32
      %dma_start3A_171 = tpu.memref_slice %arg7[%mul3A_170] : memref<20016xi32, #tpu.memory_space<vmem>> -> memref<80xi32, #tpu.memory_space<vmem>>
      %dma_start3A_172 = arith.constant 0 : i32
      %dma_start3A_173 = arith.constant 0 : i32
      %dma_start3A_174 = tpu.memref_slice %arg2[%dma_start3A_172, %dma_start3A_173] : memref<10000x128xf32, #tpu.memory_space<hbm>> -> memref<10000x128xf32, #tpu.memory_space<hbm>>
      tpu.enqueue_indirect_dma source(%dma_start3A_174 : memref<10000x128xf32, #tpu.memory_space<hbm>>) target(%arg9 : memref<80x128xf32, #tpu.memory_space<vmem>>) offsets(%dma_start3A_171 : memref<80xi32, #tpu.memory_space<vmem>>) semaphore(%arg17 : memref<!tpu.dma_semaphore, #tpu.memory_space<semaphore_mem>>)
      %dma_wait3A = arith.constant 0 : i32
      %dma_wait3A_175 = tpu.memref_slice %arg7[%dma_wait3A] : memref<20016xi32, #tpu.memory_space<vmem>> -> memref<80xi32, #tpu.memory_space<vmem>>
      %dma_wait3A_176 = arith.constant 0 : i32
      %dma_wait3A_177 = arith.constant 0 : i32
      %dma_wait3A_178 = tpu.memref_slice %arg2[%dma_wait3A_176, %dma_wait3A_177] : memref<10000x128xf32, #tpu.memory_space<hbm>> -> memref<10000x128xf32, #tpu.memory_space<hbm>>
      tpu.wait_indirect_dma semaphore(%arg16 : memref<!tpu.dma_semaphore, #tpu.memory_space<semaphore_mem>>) src(%dma_wait3A_178 : memref<10000x128xf32, #tpu.memory_space<hbm>>) dst(%arg8 : memref<80x128xf32, #tpu.memory_space<vmem>>)
      %mul3A_179 = arith.constant 2 : i32
      %mul3A_180 = arith.muli %mul3A_179, %scan3A_152 : i32
      %scan3A_181 = arith.constant 0 : i32
      %scan3A_182 = arith.constant 40 : i32
      %scan3A_183 = arith.addi %scan3A_181, %scan3A_182 : i32
      %scan3A_184 = arith.constant 1 : i32
      %scan3A_185:10 = scf.for %scan3A_207 = %scan3A_181 to %scan3A_183 step %scan3A_184 iter_args(%scan3A_208 = %scan3A_153, %scan3A_209 = %scan3A_154, %scan3A_210 = %scan3A_155, %scan3A_211 = %scan3A_156, %scan3A_212 = %scan3A_157, %scan3A_213 = %scan3A_158, %scan3A_214 = %scan3A_159, %scan3A_215 = %scan3A_160, %scan3A_216 = %scan3A_161, %scan3A_217 = %scan3A_162) -> (i32, i32, vector<16xf32>, vector<16xf32>, vector<16xf32>, vector<16xf32>, vector<16xf32>, vector<16xf32>, vector<16xf32>, vector<16xf32>)  : i32 {
        %mul3A_218 = arith.constant 40 : i32
        %mul3A_219 = arith.muli %mul3A_180, %mul3A_218 : i32
        %add3A_220 = arith.addi %mul3A_219, %scan3A_207 : i32
        %mul3A_221 = arith.constant 2 : i32
        %mul3A_222 = arith.muli %mul3A_221, %add3A_220 : i32
        %add3A_223 = arith.constant 1 : i32
        %add3A_224 = arith.addi %mul3A_222, %add3A_223 : i32
        %get3A_225 = arith.index_cast %add3A_224 : i32 to index
        %get3A_226 = tpu.vector_load %arg7[%get3A_225] {strides = array<i32>} : memref<20016xi32, #tpu.memory_space<vmem>>, vector<16xi32>,
        %get3A_227 = vector.shape_cast %get3A_226 : vector<16xi32> to vector<16xi32>
        %slice3A = vector.extract_strided_slice %get3A_227 {offsets = [0], sizes = [1], strides = [1]} : vector<16xi32> to vector<1xi32>
        %squeeze3A = vector.extract %slice3A[0] : i32 from vector<1xi32>
        %ne3A_228 = arith.cmpi ne, %squeeze3A, %scan3A_208 : i32
        %ge3A = arith.constant 0 : i32
        %ge3A_229 = arith.cmpi sge, %scan3A_208, %ge3A : i32
        %and3A_230 = arith.andi %ne3A_228, %ge3A_229 : i1
        %convert_element_type3A_231 = arith.extui %and3A_230 : i1 to i32
        %cond3A_232 = arith.constant 0 : i32
        %cond3A_233 = arith.cmpi ne, %convert_element_type3A_231, %cond3A_232 : i32
        scf.if %cond3A_233 {
          %swap3A_381 = arith.constant 0 : i32
          %swap3A_382 = arith.constant 0 : i32
          %swap3A_383 = tpu.memref_slice %arg10[%swap3A_381, %swap3A_382] : memref<1x128xf32, #tpu.memory_space<vmem>> -> memref<1x128xf32, #tpu.memory_space<vmem>>
          %swap3A_384 = tpu.memref_squeeze %swap3A_383 : memref<1x128xf32, #tpu.memory_space<vmem>> -> memref<128xf32, #tpu.memory_space<vmem>>
          %swap3A_385 = arith.constant 0 : index
          %swap3A_386 = tpu.vector_load %swap3A_384[%swap3A_385] {strides = array<i32>} : memref<128xf32, #tpu.memory_space<vmem>>, vector<16xf32>,
          %swap3A_387 = vector.shape_cast %swap3A_386 : vector<16xf32> to vector<16xf32>
          %swap3A_388 = vector.shape_cast %scan3A_210 : vector<16xf32> to vector<16xf32>
          tpu.vector_store %swap3A_384[%swap3A_385], %swap3A_388 {strides = array<i32>} : memref<128xf32, #tpu.memory_space<vmem>>, vector<16xf32>,
          %swap3A_389 = arith.constant 0 : i32
          %swap3A_390 = arith.constant 0 : i32
          %swap3A_391 = tpu.memref_slice %arg10[%swap3A_389, %swap3A_390] : memref<1x128xf32, #tpu.memory_space<vmem>> -> memref<1x128xf32, #tpu.memory_space<vmem>>
          %swap3A_392 = tpu.memref_squeeze %swap3A_391 : memref<1x128xf32, #tpu.memory_space<vmem>> -> memref<128xf32, #tpu.memory_space<vmem>>
          %swap3A_393 = arith.constant 16 : index
          %swap3A_394 = tpu.vector_load %swap3A_392[%swap3A_393] {strides = array<i32>} : memref<128xf32, #tpu.memory_space<vmem>>, vector<16xf32>,
          %swap3A_395 = vector.shape_cast %swap3A_394 : vector<16xf32> to vector<16xf32>
          %swap3A_396 = vector.shape_cast %scan3A_211 : vector<16xf32> to vector<16xf32>
          tpu.vector_store %swap3A_392[%swap3A_393], %swap3A_396 {strides = array<i32>} : memref<128xf32, #tpu.memory_space<vmem>>, vector<16xf32>,
          %swap3A_397 = arith.constant 0 : i32
          %swap3A_398 = arith.constant 0 : i32
          %swap3A_399 = tpu.memref_slice %arg10[%swap3A_397, %swap3A_398] : memref<1x128xf32, #tpu.memory_space<vmem>> -> memref<1x128xf32, #tpu.memory_space<vmem>>
          %swap3A_400 = tpu.memref_squeeze %swap3A_399 : memref<1x128xf32, #tpu.memory_space<vmem>> -> memref<128xf32, #tpu.memory_space<vmem>>
          %swap3A_401 = arith.constant 32 : index
          %swap3A_402 = tpu.vector_load %swap3A_400[%swap3A_401] {strides = array<i32>} : memref<128xf32, #tpu.memory_space<vmem>>, vector<16xf32>,
          %swap3A_403 = vector.shape_cast %swap3A_402 : vector<16xf32> to vector<16xf32>
          %swap3A_404 = vector.shape_cast %scan3A_212 : vector<16xf32> to vector<16xf32>
          tpu.vector_store %swap3A_400[%swap3A_401], %swap3A_404 {strides = array<i32>} : memref<128xf32, #tpu.memory_space<vmem>>, vector<16xf32>,
          %swap3A_405 = arith.constant 0 : i32
          %swap3A_406 = arith.constant 0 : i32
          %swap3A_407 = tpu.memref_slice %arg10[%swap3A_405, %swap3A_406] : memref<1x128xf32, #tpu.memory_space<vmem>> -> memref<1x128xf32, #tpu.memory_space<vmem>>
          %swap3A_408 = tpu.memref_squeeze %swap3A_407 : memref<1x128xf32, #tpu.memory_space<vmem>> -> memref<128xf32, #tpu.memory_space<vmem>>
          %swap3A_409 = arith.constant 48 : index
          %swap3A_410 = tpu.vector_load %swap3A_408[%swap3A_409] {strides = array<i32>} : memref<128xf32, #tpu.memory_space<vmem>>, vector<16xf32>,
          %swap3A_411 = vector.shape_cast %swap3A_410 : vector<16xf32> to vector<16xf32>
          %swap3A_412 = vector.shape_cast %scan3A_213 : vector<16xf32> to vector<16xf32>
          tpu.vector_store %swap3A_408[%swap3A_409], %swap3A_412 {strides = array<i32>} : memref<128xf32, #tpu.memory_space<vmem>>, vector<16xf32>,
          %swap3A_413 = arith.constant 0 : i32
          %swap3A_414 = arith.constant 0 : i32
          %swap3A_415 = tpu.memref_slice %arg10[%swap3A_413, %swap3A_414] : memref<1x128xf32, #tpu.memory_space<vmem>> -> memref<1x128xf32, #tpu.memory_space<vmem>>
          %swap3A_416 = tpu.memref_squeeze %swap3A_415 : memref<1x128xf32, #tpu.memory_space<vmem>> -> memref<128xf32, #tpu.memory_space<vmem>>
          %swap3A_417 = arith.constant 64 : index
          %swap3A_418 = tpu.vector_load %swap3A_416[%swap3A_417] {strides = array<i32>} : memref<128xf32, #tpu.memory_space<vmem>>, vector<16xf32>,
          %swap3A_419 = vector.shape_cast %swap3A_418 : vector<16xf32> to vector<16xf32>
          %swap3A_420 = vector.shape_cast %scan3A_214 : vector<16xf32> to vector<16xf32>
          tpu.vector_store %swap3A_416[%swap3A_417], %swap3A_420 {strides = array<i32>} : memref<128xf32, #tpu.memory_space<vmem>>, vector<16xf32>,
          %swap3A_421 = arith.constant 0 : i32
          %swap3A_422 = arith.constant 0 : i32
          %swap3A_423 = tpu.memref_slice %arg10[%swap3A_421, %swap3A_422] : memref<1x128xf32, #tpu.memory_space<vmem>> -> memref<1x128xf32, #tpu.memory_space<vmem>>
          %swap3A_424 = tpu.memref_squeeze %swap3A_423 : memref<1x128xf32, #tpu.memory_space<vmem>> -> memref<128xf32, #tpu.memory_space<vmem>>
          %swap3A_425 = arith.constant 80 : index
          %swap3A_426 = tpu.vector_load %swap3A_424[%swap3A_425] {strides = array<i32>} : memref<128xf32, #tpu.memory_space<vmem>>, vector<16xf32>,
          %swap3A_427 = vector.shape_cast %swap3A_426 : vector<16xf32> to vector<16xf32>
          %swap3A_428 = vector.shape_cast %scan3A_215 : vector<16xf32> to vector<16xf32>
          tpu.vector_store %swap3A_424[%swap3A_425], %swap3A_428 {strides = array<i32>} : memref<128xf32, #tpu.memory_space<vmem>>, vector<16xf32>,
          %swap3A_429 = arith.constant 0 : i32
          %swap3A_430 = arith.constant 0 : i32
          %swap3A_431 = tpu.memref_slice %arg10[%swap3A_429, %swap3A_430] : memref<1x128xf32, #tpu.memory_space<vmem>> -> memref<1x128xf32, #tpu.memory_space<vmem>>
          %swap3A_432 = tpu.memref_squeeze %swap3A_431 : memref<1x128xf32, #tpu.memory_space<vmem>> -> memref<128xf32, #tpu.memory_space<vmem>>
          %swap3A_433 = arith.constant 96 : index
          %swap3A_434 = tpu.vector_load %swap3A_432[%swap3A_433] {strides = array<i32>} : memref<128xf32, #tpu.memory_space<vmem>>, vector<16xf32>,
          %swap3A_435 = vector.shape_cast %swap3A_434 : vector<16xf32> to vector<16xf32>
          %swap3A_436 = vector.shape_cast %scan3A_216 : vector<16xf32> to vector<16xf32>
          tpu.vector_store %swap3A_432[%swap3A_433], %swap3A_436 {strides = array<i32>} : memref<128xf32, #tpu.memory_space<vmem>>, vector<16xf32>,
          %swap3A_437 = arith.constant 0 : i32
          %swap3A_438 = arith.constant 0 : i32
          %swap3A_439 = tpu.memref_slice %arg10[%swap3A_437, %swap3A_438] : memref<1x128xf32, #tpu.memory_space<vmem>> -> memref<1x128xf32, #tpu.memory_space<vmem>>
          %swap3A_440 = tpu.memref_squeeze %swap3A_439 : memref<1x128xf32, #tpu.memory_space<vmem>> -> memref<128xf32, #tpu.memory_space<vmem>>
          %swap3A_441 = arith.constant 112 : index
          %swap3A_442 = tpu.vector_load %swap3A_440[%swap3A_441] {strides = array<i32>} : memref<128xf32, #tpu.memory_space<vmem>>, vector<16xf32>,
          %swap3A_443 = vector.shape_cast %swap3A_442 : vector<16xf32> to vector<16xf32>
          %swap3A_444 = vector.shape_cast %scan3A_217 : vector<16xf32> to vector<16xf32>
          tpu.vector_store %swap3A_440[%swap3A_441], %swap3A_444 {strides = array<i32>} : memref<128xf32, #tpu.memory_space<vmem>>, vector<16xf32>,
          %eq3A_445 = arith.constant 0 : i32
          %eq3A_446 = arith.cmpi eq, %scan3A_209, %eq3A_445 : i32
          %convert_element_type3A_447 = arith.extui %eq3A_446 : i1 to i32
          %cond3A_448 = arith.constant 0 : i32
          %cond3A_449 = arith.cmpi ne, %convert_element_type3A_447, %cond3A_448 : i32
          scf.if %cond3A_449 {
            %mul3A_455 = arith.constant 2 : i32
            %mul3A_456 = arith.muli %mul3A_455, %arg1 : i32
            %add3A_457 = arith.constant 10000 : i32
            %add3A_458 = arith.addi %add3A_457, %mul3A_456 : i32
            "tpu.region"() ({
              %run_scoped3A = tpu.sem_alloc : memref<!tpu.dma_semaphore, #tpu.memory_space<semaphore_mem>>
              %dma_start3A_531 = arith.constant 0 : i32
              %dma_start3A_532 = tpu.memref_slice %arg15[%add3A_458, %dma_start3A_531] : memref<10032x128xf32, #tpu.memory_space<vmem_shared>> -> memref<1x128xf32, #tpu.memory_space<vmem_shared>>
              %dma_start3A_533 = arith.constant 0 : i32
              %dma_start3A_534 = tpu.memref_slice %arg15[%add3A_458, %dma_start3A_533] : memref<10032x128xf32, #tpu.memory_space<vmem_shared>> -> memref<1x128xf32, #tpu.memory_space<vmem_shared>>
              tpu.enqueue_dma source(%arg10 : memref<1x128xf32, #tpu.memory_space<vmem>>) target(%dma_start3A_534 : memref<1x128xf32, #tpu.memory_space<vmem_shared>>) target_semaphore(%run_scoped3A : memref<!tpu.dma_semaphore, #tpu.memory_space<semaphore_mem>>)
              %dma_wait3A_535 = arith.constant 0 : i32
              %dma_wait3A_536 = tpu.memref_slice %arg15[%add3A_458, %dma_wait3A_535] : memref<10032x128xf32, #tpu.memory_space<vmem_shared>> -> memref<1x128xf32, #tpu.memory_space<vmem_shared>>
              %dma_wait3A_537 = arith.constant 0 : i32
              %dma_wait3A_538 = tpu.memref_slice %arg15[%add3A_458, %dma_wait3A_537] : memref<10032x128xf32, #tpu.memory_space<vmem_shared>> -> memref<1x128xf32, #tpu.memory_space<vmem_shared>>
              tpu.wait_dma2 semaphore(%run_scoped3A : memref<!tpu.dma_semaphore, #tpu.memory_space<semaphore_mem>>) src(%arg10 : memref<1x128xf32, #tpu.memory_space<vmem>>) dst(%dma_wait3A_538 : memref<1x128xf32, #tpu.memory_space<vmem_shared>>)
              tpu.yield
            }) : () -> ()
            %broadcast_in_dim3A_459 = vector.broadcast %scan3A_208 : i32 to vector<16xi32>
            %convert_element_type3A_460 = arith.sitofp %broadcast_in_dim3A_459 : vector<16xi32> to vector<16xf32>
            %swap3A_461 = arith.constant 0 : i32
            %swap3A_462 = arith.constant 0 : i32
            %swap3A_463 = tpu.memref_slice %arg11[%swap3A_461, %swap3A_462] : memref<1x128xf32, #tpu.memory_space<vmem>> -> memref<1x128xf32, #tpu.memory_space<vmem>>
            %swap3A_464 = tpu.memref_squeeze %swap3A_463 : memref<1x128xf32, #tpu.memory_space<vmem>> -> memref<128xf32, #tpu.memory_space<vmem>>
            %swap3A_465 = arith.constant 0 : index
            %swap3A_466 = tpu.vector_load %swap3A_464[%swap3A_465] {strides = array<i32>} : memref<128xf32, #tpu.memory_space<vmem>>, vector<16xf32>,
            %swap3A_467 = vector.shape_cast %swap3A_466 : vector<16xf32> to vector<16xf32>
            %swap3A_468 = vector.shape_cast %convert_element_type3A_460 : vector<16xf32> to vector<16xf32>
            tpu.vector_store %swap3A_464[%swap3A_465], %swap3A_468 {strides = array<i32>} : memref<128xf32, #tpu.memory_space<vmem>>, vector<16xf32>,
            %swap3A_469 = arith.constant 0 : i32
            %swap3A_470 = arith.constant 0 : i32
            %swap3A_471 = tpu.memref_slice %arg11[%swap3A_469, %swap3A_470] : memref<1x128xf32, #tpu.memory_space<vmem>> -> memref<1x128xf32, #tpu.memory_space<vmem>>
            %swap3A_472 = tpu.memref_squeeze %swap3A_471 : memref<1x128xf32, #tpu.memory_space<vmem>> -> memref<128xf32, #tpu.memory_space<vmem>>
            %swap3A_473 = arith.constant 16 : index
            %swap3A_474 = tpu.vector_load %swap3A_472[%swap3A_473] {strides = array<i32>} : memref<128xf32, #tpu.memory_space<vmem>>, vector<16xf32>,
            %swap3A_475 = vector.shape_cast %swap3A_474 : vector<16xf32> to vector<16xf32>
            %swap3A_476 = vector.shape_cast %convert_element_type3A_460 : vector<16xf32> to vector<16xf32>
            tpu.vector_store %swap3A_472[%swap3A_473], %swap3A_476 {strides = array<i32>} : memref<128xf32, #tpu.memory_space<vmem>>, vector<16xf32>,
            %swap3A_477 = arith.constant 0 : i32
            %swap3A_478 = arith.constant 0 : i32
            %swap3A_479 = tpu.memref_slice %arg11[%swap3A_477, %swap3A_478] : memref<1x128xf32, #tpu.memory_space<vmem>> -> memref<1x128xf32, #tpu.memory_space<vmem>>
            %swap3A_480 = tpu.memref_squeeze %swap3A_479 : memref<1x128xf32, #tpu.memory_space<vmem>> -> memref<128xf32, #tpu.memory_space<vmem>>
            %swap3A_481 = arith.constant 32 : index
            %swap3A_482 = tpu.vector_load %swap3A_480[%swap3A_481] {strides = array<i32>} : memref<128xf32, #tpu.memory_space<vmem>>, vector<16xf32>,
            %swap3A_483 = vector.shape_cast %swap3A_482 : vector<16xf32> to vector<16xf32>
            %swap3A_484 = vector.shape_cast %convert_element_type3A_460 : vector<16xf32> to vector<16xf32>
            tpu.vector_store %swap3A_480[%swap3A_481], %swap3A_484 {strides = array<i32>} : memref<128xf32, #tpu.memory_space<vmem>>, vector<16xf32>,
            %swap3A_485 = arith.constant 0 : i32
            %swap3A_486 = arith.constant 0 : i32
            %swap3A_487 = tpu.memref_slice %arg11[%swap3A_485, %swap3A_486] : memref<1x128xf32, #tpu.memory_space<vmem>> -> memref<1x128xf32, #tpu.memory_space<vmem>>
            %swap3A_488 = tpu.memref_squeeze %swap3A_487 : memref<1x128xf32, #tpu.memory_space<vmem>> -> memref<128xf32, #tpu.memory_space<vmem>>
            %swap3A_489 = arith.constant 48 : index
            %swap3A_490 = tpu.vector_load %swap3A_488[%swap3A_489] {strides = array<i32>} : memref<128xf32, #tpu.memory_space<vmem>>, vector<16xf32>,
            %swap3A_491 = vector.shape_cast %swap3A_490 : vector<16xf32> to vector<16xf32>
            %swap3A_492 = vector.shape_cast %convert_element_type3A_460 : vector<16xf32> to vector<16xf32>
            tpu.vector_store %swap3A_488[%swap3A_489], %swap3A_492 {strides = array<i32>} : memref<128xf32, #tpu.memory_space<vmem>>, vector<16xf32>,
            %swap3A_493 = arith.constant 0 : i32
            %swap3A_494 = arith.constant 0 : i32
            %swap3A_495 = tpu.memref_slice %arg11[%swap3A_493, %swap3A_494] : memref<1x128xf32, #tpu.memory_space<vmem>> -> memref<1x128xf32, #tpu.memory_space<vmem>>
            %swap3A_496 = tpu.memref_squeeze %swap3A_495 : memref<1x128xf32, #tpu.memory_space<vmem>> -> memref<128xf32, #tpu.memory_space<vmem>>
            %swap3A_497 = arith.constant 64 : index
            %swap3A_498 = tpu.vector_load %swap3A_496[%swap3A_497] {strides = array<i32>} : memref<128xf32, #tpu.memory_space<vmem>>, vector<16xf32>,
            %swap3A_499 = vector.shape_cast %swap3A_498 : vector<16xf32> to vector<16xf32>
            %swap3A_500 = vector.shape_cast %convert_element_type3A_460 : vector<16xf32> to vector<16xf32>
            tpu.vector_store %swap3A_496[%swap3A_497], %swap3A_500 {strides = array<i32>} : memref<128xf32, #tpu.memory_space<vmem>>, vector<16xf32>,
            %swap3A_501 = arith.constant 0 : i32
            %swap3A_502 = arith.constant 0 : i32
            %swap3A_503 = tpu.memref_slice %arg11[%swap3A_501, %swap3A_502] : memref<1x128xf32, #tpu.memory_space<vmem>> -> memref<1x128xf32, #tpu.memory_space<vmem>>
            %swap3A_504 = tpu.memref_squeeze %swap3A_503 : memref<1x128xf32, #tpu.memory_space<vmem>> -> memref<128xf32, #tpu.memory_space<vmem>>
            %swap3A_505 = arith.constant 80 : index
            %swap3A_506 = tpu.vector_load %swap3A_504[%swap3A_505] {strides = array<i32>} : memref<128xf32, #tpu.memory_space<vmem>>, vector<16xf32>,
            %swap3A_507 = vector.shape_cast %swap3A_506 : vector<16xf32> to vector<16xf32>
            %swap3A_508 = vector.shape_cast %convert_element_type3A_460 : vector<16xf32> to vector<16xf32>
            tpu.vector_store %swap3A_504[%swap3A_505], %swap3A_508 {strides = array<i32>} : memref<128xf32, #tpu.memory_space<vmem>>, vector<16xf32>,
            %swap3A_509 = arith.constant 0 : i32
            %swap3A_510 = arith.constant 0 : i32
            %swap3A_511 = tpu.memref_slice %arg11[%swap3A_509, %swap3A_510] : memref<1x128xf32, #tpu.memory_space<vmem>> -> memref<1x128xf32, #tpu.memory_space<vmem>>
            %swap3A_512 = tpu.memref_squeeze %swap3A_511 : memref<1x128xf32, #tpu.memory_space<vmem>> -> memref<128xf32, #tpu.memory_space<vmem>>
            %swap3A_513 = arith.constant 96 : index
            %swap3A_514 = tpu.vector_load %swap3A_512[%swap3A_513] {strides = array<i32>} : memref<128xf32, #tpu.memory_space<vmem>>, vector<16xf32>,
            %swap3A_515 = vector.shape_cast %swap3A_514 : vector<16xf32> to vector<16xf32>
            %swap3A_516 = vector.shape_cast %convert_element_type3A_460 : vector<16xf32> to vector<16xf32>
            tpu.vector_store %swap3A_512[%swap3A_513], %swap3A_516 {strides = array<i32>} : memref<128xf32, #tpu.memory_space<vmem>>, vector<16xf32>,
            %swap3A_517 = arith.constant 0 : i32
            %swap3A_518 = arith.constant 0 : i32
            %swap3A_519 = tpu.memref_slice %arg11[%swap3A_517, %swap3A_518] : memref<1x128xf32, #tpu.memory_space<vmem>> -> memref<1x128xf32, #tpu.memory_space<vmem>>
            %swap3A_520 = tpu.memref_squeeze %swap3A_519 : memref<1x128xf32, #tpu.memory_space<vmem>> -> memref<128xf32, #tpu.memory_space<vmem>>
            %swap3A_521 = arith.constant 112 : index
            %swap3A_522 = tpu.vector_load %swap3A_520[%swap3A_521] {strides = array<i32>} : memref<128xf32, #tpu.memory_space<vmem>>, vector<16xf32>,
            %swap3A_523 = vector.shape_cast %swap3A_522 : vector<16xf32> to vector<16xf32>
            %swap3A_524 = vector.shape_cast %convert_element_type3A_460 : vector<16xf32> to vector<16xf32>
            tpu.vector_store %swap3A_520[%swap3A_521], %swap3A_524 {strides = array<i32>} : memref<128xf32, #tpu.memory_space<vmem>>, vector<16xf32>,
            %mul3A_525 = arith.constant 2 : i32
            %mul3A_526 = arith.muli %mul3A_525, %arg1 : i32
            %add3A_527 = arith.constant 10000 : i32
            %add3A_528 = arith.addi %add3A_527, %mul3A_526 : i32
            %add3A_529 = arith.constant 1 : i32
            %add3A_530 = arith.addi %add3A_528, %add3A_529 : i32
            "tpu.region"() ({
              %run_scoped3A = tpu.sem_alloc : memref<!tpu.dma_semaphore, #tpu.memory_space<semaphore_mem>>
              %dma_start3A_531 = arith.constant 0 : i32
              %dma_start3A_532 = tpu.memref_slice %arg15[%add3A_530, %dma_start3A_531] : memref<10032x128xf32, #tpu.memory_space<vmem_shared>> -> memref<1x128xf32, #tpu.memory_space<vmem_shared>>
              %dma_start3A_533 = arith.constant 0 : i32
              %dma_start3A_534 = tpu.memref_slice %arg15[%add3A_530, %dma_start3A_533] : memref<10032x128xf32, #tpu.memory_space<vmem_shared>> -> memref<1x128xf32, #tpu.memory_space<vmem_shared>>
              tpu.enqueue_dma source(%arg11 : memref<1x128xf32, #tpu.memory_space<vmem>>) target(%dma_start3A_534 : memref<1x128xf32, #tpu.memory_space<vmem_shared>>) target_semaphore(%run_scoped3A : memref<!tpu.dma_semaphore, #tpu.memory_space<semaphore_mem>>)
              %dma_wait3A_535 = arith.constant 0 : i32
              %dma_wait3A_536 = tpu.memref_slice %arg15[%add3A_530, %dma_wait3A_535] : memref<10032x128xf32, #tpu.memory_space<vmem_shared>> -> memref<1x128xf32, #tpu.memory_space<vmem_shared>>
              %dma_wait3A_537 = arith.constant 0 : i32
              %dma_wait3A_538 = tpu.memref_slice %arg15[%add3A_530, %dma_wait3A_537] : memref<10032x128xf32, #tpu.memory_space<vmem_shared>> -> memref<1x128xf32, #tpu.memory_space<vmem_shared>>
              tpu.wait_dma2 semaphore(%run_scoped3A : memref<!tpu.dma_semaphore, #tpu.memory_space<semaphore_mem>>) src(%arg11 : memref<1x128xf32, #tpu.memory_space<vmem>>) dst(%dma_wait3A_538 : memref<1x128xf32, #tpu.memory_space<vmem_shared>>)
              tpu.yield
            }) : () -> ()
          } else {
          }
          %eq3A_450 = arith.constant 1 : i32
          %eq3A_451 = arith.cmpi eq, %scan3A_209, %eq3A_450 : i32
          %convert_element_type3A_452 = arith.extui %eq3A_451 : i1 to i32
          %cond3A_453 = arith.constant 0 : i32
          %cond3A_454 = arith.cmpi ne, %convert_element_type3A_452, %cond3A_453 : i32
          scf.if %cond3A_454 {
            "tpu.region"() ({
              %run_scoped3A = tpu.sem_alloc : memref<!tpu.dma_semaphore, #tpu.memory_space<semaphore_mem>>
              %dma_start3A_455 = arith.constant 0 : i32
              %dma_start3A_456 = tpu.memref_slice %arg15[%scan3A_208, %dma_start3A_455] : memref<10032x128xf32, #tpu.memory_space<vmem_shared>> -> memref<1x128xf32, #tpu.memory_space<vmem_shared>>
              %dma_start3A_457 = arith.constant 0 : i32
              %dma_start3A_458 = tpu.memref_slice %arg15[%scan3A_208, %dma_start3A_457] : memref<10032x128xf32, #tpu.memory_space<vmem_shared>> -> memref<1x128xf32, #tpu.memory_space<vmem_shared>>
              tpu.enqueue_dma source(%arg10 : memref<1x128xf32, #tpu.memory_space<vmem>>) target(%dma_start3A_458 : memref<1x128xf32, #tpu.memory_space<vmem_shared>>) target_semaphore(%run_scoped3A : memref<!tpu.dma_semaphore, #tpu.memory_space<semaphore_mem>>)
              %dma_wait3A_459 = arith.constant 0 : i32
              %dma_wait3A_460 = tpu.memref_slice %arg15[%scan3A_208, %dma_wait3A_459] : memref<10032x128xf32, #tpu.memory_space<vmem_shared>> -> memref<1x128xf32, #tpu.memory_space<vmem_shared>>
              %dma_wait3A_461 = arith.constant 0 : i32
              %dma_wait3A_462 = tpu.memref_slice %arg15[%scan3A_208, %dma_wait3A_461] : memref<10032x128xf32, #tpu.memory_space<vmem_shared>> -> memref<1x128xf32, #tpu.memory_space<vmem_shared>>
              tpu.wait_dma2 semaphore(%run_scoped3A : memref<!tpu.dma_semaphore, #tpu.memory_space<semaphore_mem>>) src(%arg10 : memref<1x128xf32, #tpu.memory_space<vmem>>) dst(%dma_wait3A_462 : memref<1x128xf32, #tpu.memory_space<vmem_shared>>)
              tpu.yield
            }) : () -> ()
          } else {
          }
        } else {
        }
        %convert_element_type3A_234 = arith.extui %and3A_230 : i1 to i32
        %or3A = arith.ori %scan3A_209, %convert_element_type3A_234 : i32
        %mul3A_235 = arith.constant 2 : i32
        %mul3A_236 = arith.muli %mul3A_235, %scan3A_207 : i32
        %get3A_237 = arith.constant 0 : i32
        %get3A_238 = tpu.memref_slice %arg8[%mul3A_236, %get3A_237] : memref<80x128xf32, #tpu.memory_space<vmem>> -> memref<1x128xf32, #tpu.memory_space<vmem>>
        %get3A_239 = tpu.memref_squeeze %get3A_238 : memref<1x128xf32, #tpu.memory_space<vmem>> -> memref<128xf32, #tpu.memory_space<vmem>>
        %get3A_240 = arith.constant 0 : index
        %get3A_241 = tpu.vector_load %get3A_239[%get3A_240] {strides = array<i32>} : memref<128xf32, #tpu.memory_space<vmem>>, vector<16xf32>,
        %get3A_242 = vector.shape_cast %get3A_241 : vector<16xf32> to vector<16xf32>
        %mul3A_243 = arith.constant 2 : i32
        %mul3A_244 = arith.muli %mul3A_243, %scan3A_207 : i32
        %add3A_245 = arith.constant 1 : i32
        %add3A_246 = arith.addi %mul3A_244, %add3A_245 : i32
        %get3A_247 = arith.constant 0 : i32
        %get3A_248 = tpu.memref_slice %arg8[%add3A_246, %get3A_247] : memref<80x128xf32, #tpu.memory_space<vmem>> -> memref<1x128xf32, #tpu.memory_space<vmem>>
        %get3A_249 = tpu.memref_squeeze %get3A_248 : memref<1x128xf32, #tpu.memory_space<vmem>> -> memref<128xf32, #tpu.memory_space<vmem>>
        %get3A_250 = arith.constant 64 : index
        %get3A_251 = tpu.vector_load %get3A_249[%get3A_250] {strides = array<i32>} : memref<128xf32, #tpu.memory_space<vmem>>, vector<16xf32>,
        %get3A_252 = vector.shape_cast %get3A_251 : vector<16xf32> to vector<16xf32>
        %add3A_253 = arith.addf %get3A_242, %get3A_252 : vector<16xf32>
        %max3A = arith.constant 0.000000e+00 : f32
        %max3A_254 = vector.broadcast %max3A : f32 to vector<16xf32>
        %max3A_255 = arith.maximumf %add3A_253, %max3A_254 : vector<16xf32>
        %add3A_256 = arith.constant 1.000000e-07 : f32
        %add3A_257 = vector.broadcast %add3A_256 : f32 to vector<16xf32>
        %add3A_258 = arith.addf %max3A_255, %add3A_257 : vector<16xf32>
        %mul3A_259 = arith.mulf %add3A_258, %get3A_45 : vector<16xf32>
        %sub3A_260 = arith.subf %mul3A_259, %get3A_48 : vector<16xf32>
        %exp3A = math.exp %sub3A_260 : vector<16xf32>
        %jit3A_261 = arith.constant 0.000000e+00 : f32
        %broadcast_in_dim3A_262 = vector.broadcast %jit3A_261 : f32 to vector<16xf32>
        %select_n3A_263 = arith.select %and3A_230, %broadcast_in_dim3A_262, %scan3A_210 : vector<16xf32>
        %jit3A_264 = arith.constant 0.000000e+00 : f32
        %broadcast_in_dim3A_265 = vector.broadcast %jit3A_264 : f32 to vector<16xf32>
        %select_n3A_266 = arith.select %and3A_230, %broadcast_in_dim3A_265, %scan3A_214 : vector<16xf32>
        %add3A_267 = arith.addf %select_n3A_263, %exp3A : vector<16xf32>
        %mul3A_268 = arith.mulf %add3A_258, %exp3A : vector<16xf32>
        %add3A_269 = arith.addf %select_n3A_266, %mul3A_268 : vector<16xf32>
        %mul3A_270 = arith.constant 2 : i32
        %mul3A_271 = arith.muli %mul3A_270, %scan3A_207 : i32
        %get3A_272 = arith.constant 0 : i32
        %get3A_273 = tpu.memref_slice %arg8[%mul3A_271, %get3A_272] : memref<80x128xf32, #tpu.memory_space<vmem>> -> memref<1x128xf32, #tpu.memory_space<vmem>>
        %get3A_274 = tpu.memref_squeeze %get3A_273 : memref<1x128xf32, #tpu.memory_space<vmem>> -> memref<128xf32, #tpu.memory_space<vmem>>
        %get3A_275 = arith.constant 16 : index
        %get3A_276 = tpu.vector_load %get3A_274[%get3A_275] {strides = array<i32>} : memref<128xf32, #tpu.memory_space<vmem>>, vector<16xf32>,
        %get3A_277 = vector.shape_cast %get3A_276 : vector<16xf32> to vector<16xf32>
        %mul3A_278 = arith.constant 2 : i32
        %mul3A_279 = arith.muli %mul3A_278, %scan3A_207 : i32
        %add3A_280 = arith.constant 1 : i32
        %add3A_281 = arith.addi %mul3A_279, %add3A_280 : i32
        %get3A_282 = arith.constant 0 : i32
        %get3A_283 = tpu.memref_slice %arg8[%add3A_281, %get3A_282] : memref<80x128xf32, #tpu.memory_space<vmem>> -> memref<1x128xf32, #tpu.memory_space<vmem>>
        %get3A_284 = tpu.memref_squeeze %get3A_283 : memref<1x128xf32, #tpu.memory_space<vmem>> -> memref<128xf32, #tpu.memory_space<vmem>>
        %get3A_285 = arith.constant 80 : index
        %get3A_286 = tpu.vector_load %get3A_284[%get3A_285] {strides = array<i32>} : memref<128xf32, #tpu.memory_space<vmem>>, vector<16xf32>,
        %get3A_287 = vector.shape_cast %get3A_286 : vector<16xf32> to vector<16xf32>
        %add3A_288 = arith.addf %get3A_277, %get3A_287 : vector<16xf32>
        %max3A_289 = arith.constant 0.000000e+00 : f32
        %max3A_290 = vector.broadcast %max3A_289 : f32 to vector<16xf32>
        %max3A_291 = arith.maximumf %add3A_288, %max3A_290 : vector<16xf32>
        %add3A_292 = arith.constant 1.000000e-07 : f32
        %add3A_293 = vector.broadcast %add3A_292 : f32 to vector<16xf32>
        %add3A_294 = arith.addf %max3A_291, %add3A_293 : vector<16xf32>
        %mul3A_295 = arith.mulf %add3A_294, %get3A_45 : vector<16xf32>
        %sub3A_296 = arith.subf %mul3A_295, %get3A_51 : vector<16xf32>
        %exp3A_297 = math.exp %sub3A_296 : vector<16xf32>
        %jit3A_298 = arith.constant 0.000000e+00 : f32
        %broadcast_in_dim3A_299 = vector.broadcast %jit3A_298 : f32 to vector<16xf32>
        %select_n3A_300 = arith.select %and3A_230, %broadcast_in_dim3A_299, %scan3A_211 : vector<16xf32>
        %jit3A_301 = arith.constant 0.000000e+00 : f32
        %broadcast_in_dim3A_302 = vector.broadcast %jit3A_301 : f32 to vector<16xf32>
        %select_n3A_303 = arith.select %and3A_230, %broadcast_in_dim3A_302, %scan3A_215 : vector<16xf32>
        %add3A_304 = arith.addf %select_n3A_300, %exp3A_297 : vector<16xf32>
        %mul3A_305 = arith.mulf %add3A_294, %exp3A_297 : vector<16xf32>
        %add3A_306 = arith.addf %select_n3A_303, %mul3A_305 : vector<16xf32>
        %mul3A_307 = arith.constant 2 : i32
        %mul3A_308 = arith.muli %mul3A_307, %scan3A_207 : i32
        %get3A_309 = arith.constant 0 : i32
        %get3A_310 = tpu.memref_slice %arg8[%mul3A_308, %get3A_309] : memref<80x128xf32, #tpu.memory_space<vmem>> -> memref<1x128xf32, #tpu.memory_space<vmem>>
        %get3A_311 = tpu.memref_squeeze %get3A_310 : memref<1x128xf32, #tpu.memory_space<vmem>> -> memref<128xf32, #tpu.memory_space<vmem>>
        %get3A_312 = arith.constant 32 : index
        %get3A_313 = tpu.vector_load %get3A_311[%get3A_312] {strides = array<i32>} : memref<128xf32, #tpu.memory_space<vmem>>, vector<16xf32>,
        %get3A_314 = vector.shape_cast %get3A_313 : vector<16xf32> to vector<16xf32>
        %mul3A_315 = arith.constant 2 : i32
        %mul3A_316 = arith.muli %mul3A_315, %scan3A_207 : i32
        %add3A_317 = arith.constant 1 : i32
        %add3A_318 = arith.addi %mul3A_316, %add3A_317 : i32
        %get3A_319 = arith.constant 0 : i32
        %get3A_320 = tpu.memref_slice %arg8[%add3A_318, %get3A_319] : memref<80x128xf32, #tpu.memory_space<vmem>> -> memref<1x128xf32, #tpu.memory_space<vmem>>
        %get3A_321 = tpu.memref_squeeze %get3A_320 : memref<1x128xf32, #tpu.memory_space<vmem>> -> memref<128xf32, #tpu.memory_space<vmem>>
        %get3A_322 = arith.constant 96 : index
        %get3A_323 = tpu.vector_load %get3A_321[%get3A_322] {strides = array<i32>} : memref<128xf32, #tpu.memory_space<vmem>>, vector<16xf32>,
        %get3A_324 = vector.shape_cast %get3A_323 : vector<16xf32> to vector<16xf32>
        %add3A_325 = arith.addf %get3A_314, %get3A_324 : vector<16xf32>
        %max3A_326 = arith.constant 0.000000e+00 : f32
        %max3A_327 = vector.broadcast %max3A_326 : f32 to vector<16xf32>
        %max3A_328 = arith.maximumf %add3A_325, %max3A_327 : vector<16xf32>
        %add3A_329 = arith.constant 1.000000e-07 : f32
        %add3A_330 = vector.broadcast %add3A_329 : f32 to vector<16xf32>
        %add3A_331 = arith.addf %max3A_328, %add3A_330 : vector<16xf32>
        %mul3A_332 = arith.mulf %add3A_331, %get3A_45 : vector<16xf32>
        %sub3A_333 = arith.subf %mul3A_332, %get3A_54 : vector<16xf32>
        %exp3A_334 = math.exp %sub3A_333 : vector<16xf32>
        %jit3A_335 = arith.constant 0.000000e+00 : f32
        %broadcast_in_dim3A_336 = vector.broadcast %jit3A_335 : f32 to vector<16xf32>
        %select_n3A_337 = arith.select %and3A_230, %broadcast_in_dim3A_336, %scan3A_212 : vector<16xf32>
        %jit3A_338 = arith.constant 0.000000e+00 : f32
        %broadcast_in_dim3A_339 = vector.broadcast %jit3A_338 : f32 to vector<16xf32>
        %select_n3A_340 = arith.select %and3A_230, %broadcast_in_dim3A_339, %scan3A_216 : vector<16xf32>
        %add3A_341 = arith.addf %select_n3A_337, %exp3A_334 : vector<16xf32>
        %mul3A_342 = arith.mulf %add3A_331, %exp3A_334 : vector<16xf32>
        %add3A_343 = arith.addf %select_n3A_340, %mul3A_342 : vector<16xf32>
        %mul3A_344 = arith.constant 2 : i32
        %mul3A_345 = arith.muli %mul3A_344, %scan3A_207 : i32
        %get3A_346 = arith.constant 0 : i32
        %get3A_347 = tpu.memref_slice %arg8[%mul3A_345, %get3A_346] : memref<80x128xf32, #tpu.memory_space<vmem>> -> memref<1x128xf32, #tpu.memory_space<vmem>>
        %get3A_348 = tpu.memref_squeeze %get3A_347 : memref<1x128xf32, #tpu.memory_space<vmem>> -> memref<128xf32, #tpu.memory_space<vmem>>
        %get3A_349 = arith.constant 48 : index
        %get3A_350 = tpu.vector_load %get3A_348[%get3A_349] {strides = array<i32>} : memref<128xf32, #tpu.memory_space<vmem>>, vector<16xf32>,
        %get3A_351 = vector.shape_cast %get3A_350 : vector<16xf32> to vector<16xf32>
        %mul3A_352 = arith.constant 2 : i32
        %mul3A_353 = arith.muli %mul3A_352, %scan3A_207 : i32
        %add3A_354 = arith.constant 1 : i32
        %add3A_355 = arith.addi %mul3A_353, %add3A_354 : i32
        %get3A_356 = arith.constant 0 : i32
        %get3A_357 = tpu.memref_slice %arg8[%add3A_355, %get3A_356] : memref<80x128xf32, #tpu.memory_space<vmem>> -> memref<1x128xf32, #tpu.memory_space<vmem>>
        %get3A_358 = tpu.memref_squeeze %get3A_357 : memref<1x128xf32, #tpu.memory_space<vmem>> -> memref<128xf32, #tpu.memory_space<vmem>>
        %get3A_359 = arith.constant 112 : index
        %get3A_360 = tpu.vector_load %get3A_358[%get3A_359] {strides = array<i32>} : memref<128xf32, #tpu.memory_space<vmem>>, vector<16xf32>,
        %get3A_361 = vector.shape_cast %get3A_360 : vector<16xf32> to vector<16xf32>
        %add3A_362 = arith.addf %get3A_351, %get3A_361 : vector<16xf32>
        %max3A_363 = arith.constant 0.000000e+00 : f32
        %max3A_364 = vector.broadcast %max3A_363 : f32 to vector<16xf32>
        %max3A_365 = arith.maximumf %add3A_362, %max3A_364 : vector<16xf32>
        %add3A_366 = arith.constant 1.000000e-07 : f32
        %add3A_367 = vector.broadcast %add3A_366 : f32 to vector<16xf32>
        %add3A_368 = arith.addf %max3A_365, %add3A_367 : vector<16xf32>
        %mul3A_369 = arith.mulf %add3A_368, %get3A_45 : vector<16xf32>
        %sub3A_370 = arith.subf %mul3A_369, %get3A_57 : vector<16xf32>
        %exp3A_371 = math.exp %sub3A_370 : vector<16xf32>
        %jit3A_372 = arith.constant 0.000000e+00 : f32
        %broadcast_in_dim3A_373 = vector.broadcast %jit3A_372 : f32 to vector<16xf32>
        %select_n3A_374 = arith.select %and3A_230, %broadcast_in_dim3A_373, %scan3A_213 : vector<16xf32>
        %jit3A_375 = arith.constant 0.000000e+00 : f32
        %broadcast_in_dim3A_376 = vector.broadcast %jit3A_375 : f32 to vector<16xf32>
        %select_n3A_377 = arith.select %and3A_230, %broadcast_in_dim3A_376, %scan3A_217 : vector<16xf32>
        %add3A_378 = arith.addf %select_n3A_374, %exp3A_371 : vector<16xf32>
        %mul3A_379 = arith.mulf %add3A_368, %exp3A_371 : vector<16xf32>
        %add3A_380 = arith.addf %select_n3A_377, %mul3A_379 : vector<16xf32>
        scf.yield %squeeze3A, %or3A, %add3A_267, %add3A_304, %add3A_341, %add3A_378, %add3A_269, %add3A_306, %add3A_343, %add3A_380 : i32, i32, vector<16xf32>, vector<16xf32>, vector<16xf32>, vector<16xf32>, vector<16xf32>, vector<16xf32>, vector<16xf32>, vector<16xf32>
      }
      %scan3A_186 = arith.constant 40 : i32
      %lt3A_187 = arith.constant 124 : i32
      %lt3A_188 = arith.cmpi slt, %scan3A_152, %lt3A_187 : i32
      %convert_element_type3A_189 = arith.extui %lt3A_188 : i1 to i32
      %cond3A_190 = arith.constant 0 : i32
      %cond3A_191 = arith.cmpi ne, %convert_element_type3A_189, %cond3A_190 : i32
      scf.if %cond3A_191 {
        %mul3A_207 = arith.constant 2 : i32
        %mul3A_208 = arith.muli %mul3A_207, %scan3A_152 : i32
        %add3A_209 = arith.constant 2 : i32
        %add3A_210 = arith.addi %mul3A_208, %add3A_209 : i32
        %mul3A_211 = arith.constant 2 : i32
        %mul3A_212 = arith.muli %add3A_210, %mul3A_211 : i32
        %mul3A_213 = arith.constant 40 : i32
        %mul3A_214 = arith.muli %mul3A_212, %mul3A_213 : i32
        %dma_start3A_215 = tpu.memref_slice %arg7[%mul3A_214] : memref<20016xi32, #tpu.memory_space<vmem>> -> memref<80xi32, #tpu.memory_space<vmem>>
        %dma_start3A_216 = arith.constant 0 : i32
        %dma_start3A_217 = arith.constant 0 : i32
        %dma_start3A_218 = tpu.memref_slice %arg2[%dma_start3A_216, %dma_start3A_217] : memref<10000x128xf32, #tpu.memory_space<hbm>> -> memref<10000x128xf32, #tpu.memory_space<hbm>>
        tpu.enqueue_indirect_dma source(%dma_start3A_218 : memref<10000x128xf32, #tpu.memory_space<hbm>>) target(%arg8 : memref<80x128xf32, #tpu.memory_space<vmem>>) offsets(%dma_start3A_215 : memref<80xi32, #tpu.memory_space<vmem>>) semaphore(%arg16 : memref<!tpu.dma_semaphore, #tpu.memory_space<semaphore_mem>>)
      } else {
      }
      %dma_wait3A_192 = arith.constant 0 : i32
      %dma_wait3A_193 = tpu.memref_slice %arg7[%dma_wait3A_192] : memref<20016xi32, #tpu.memory_space<vmem>> -> memref<80xi32, #tpu.memory_space<vmem>>
      %dma_wait3A_194 = arith.constant 0 : i32
      %dma_wait3A_195 = arith.constant 0 : i32
      %dma_wait3A_196 = tpu.memref_slice %arg2[%dma_wait3A_194, %dma_wait3A_195] : memref<10000x128xf32, #tpu.memory_space<hbm>> -> memref<10000x128xf32, #tpu.memory_space<hbm>>
      tpu.wait_indirect_dma semaphore(%arg17 : memref<!tpu.dma_semaphore, #tpu.memory_space<semaphore_mem>>) src(%dma_wait3A_196 : memref<10000x128xf32, #tpu.memory_space<hbm>>) dst(%arg9 : memref<80x128xf32, #tpu.memory_space<vmem>>)
      %mul3A_197 = arith.constant 2 : i32
      %mul3A_198 = arith.muli %mul3A_197, %scan3A_152 : i32
      %add3A_199 = arith.constant 1 : i32
      %add3A_200 = arith.addi %mul3A_198, %add3A_199 : i32
      %scan3A_201 = arith.constant 0 : i32
      %scan3A_202 = arith.constant 40 : i32
      %scan3A_203 = arith.addi %scan3A_201, %scan3A_202 : i32
      %scan3A_204 = arith.constant 1 : i32
      %scan3A_205:10 = scf.for %scan3A_207 = %scan3A_201 to %scan3A_203 step %scan3A_204 iter_args(%scan3A_208 = %scan3A_185#0, %scan3A_209 = %scan3A_185#1, %scan3A_210 = %scan3A_185#2, %scan3A_211 = %scan3A_185#3, %scan3A_212 = %scan3A_185#4, %scan3A_213 = %scan3A_185#5, %scan3A_214 = %scan3A_185#6, %scan3A_215 = %scan3A_185#7, %scan3A_216 = %scan3A_185#8, %scan3A_217 = %scan3A_185#9) -> (i32, i32, vector<16xf32>, vector<16xf32>, vector<16xf32>, vector<16xf32>, vector<16xf32>, vector<16xf32>, vector<16xf32>, vector<16xf32>)  : i32 {
        %mul3A_218 = arith.constant 40 : i32
        %mul3A_219 = arith.muli %add3A_200, %mul3A_218 : i32
        %add3A_220 = arith.addi %mul3A_219, %scan3A_207 : i32
        %mul3A_221 = arith.constant 2 : i32
        %mul3A_222 = arith.muli %mul3A_221, %add3A_220 : i32
        %add3A_223 = arith.constant 1 : i32
        %add3A_224 = arith.addi %mul3A_222, %add3A_223 : i32
        %get3A_225 = arith.index_cast %add3A_224 : i32 to index
        %get3A_226 = tpu.vector_load %arg7[%get3A_225] {strides = array<i32>} : memref<20016xi32, #tpu.memory_space<vmem>>, vector<16xi32>,
        %get3A_227 = vector.shape_cast %get3A_226 : vector<16xi32> to vector<16xi32>
        %slice3A = vector.extract_strided_slice %get3A_227 {offsets = [0], sizes = [1], strides = [1]} : vector<16xi32> to vector<1xi32>
        %squeeze3A = vector.extract %slice3A[0] : i32 from vector<1xi32>
        %ne3A_228 = arith.cmpi ne, %squeeze3A, %scan3A_208 : i32
        %ge3A = arith.constant 0 : i32
        %ge3A_229 = arith.cmpi sge, %scan3A_208, %ge3A : i32
        %and3A_230 = arith.andi %ne3A_228, %ge3A_229 : i1
        %convert_element_type3A_231 = arith.extui %and3A_230 : i1 to i32
        %cond3A_232 = arith.constant 0 : i32
        %cond3A_233 = arith.cmpi ne, %convert_element_type3A_231, %cond3A_232 : i32
        scf.if %cond3A_233 {
          %swap3A_381 = arith.constant 0 : i32
          %swap3A_382 = arith.constant 0 : i32
          %swap3A_383 = tpu.memref_slice %arg10[%swap3A_381, %swap3A_382] : memref<1x128xf32, #tpu.memory_space<vmem>> -> memref<1x128xf32, #tpu.memory_space<vmem>>
          %swap3A_384 = tpu.memref_squeeze %swap3A_383 : memref<1x128xf32, #tpu.memory_space<vmem>> -> memref<128xf32, #tpu.memory_space<vmem>>
          %swap3A_385 = arith.constant 0 : index
          %swap3A_386 = tpu.vector_load %swap3A_384[%swap3A_385] {strides = array<i32>} : memref<128xf32, #tpu.memory_space<vmem>>, vector<16xf32>,
          %swap3A_387 = vector.shape_cast %swap3A_386 : vector<16xf32> to vector<16xf32>
          %swap3A_388 = vector.shape_cast %scan3A_210 : vector<16xf32> to vector<16xf32>
          tpu.vector_store %swap3A_384[%swap3A_385], %swap3A_388 {strides = array<i32>} : memref<128xf32, #tpu.memory_space<vmem>>, vector<16xf32>,
          %swap3A_389 = arith.constant 0 : i32
          %swap3A_390 = arith.constant 0 : i32
          %swap3A_391 = tpu.memref_slice %arg10[%swap3A_389, %swap3A_390] : memref<1x128xf32, #tpu.memory_space<vmem>> -> memref<1x128xf32, #tpu.memory_space<vmem>>
          %swap3A_392 = tpu.memref_squeeze %swap3A_391 : memref<1x128xf32, #tpu.memory_space<vmem>> -> memref<128xf32, #tpu.memory_space<vmem>>
          %swap3A_393 = arith.constant 16 : index
          %swap3A_394 = tpu.vector_load %swap3A_392[%swap3A_393] {strides = array<i32>} : memref<128xf32, #tpu.memory_space<vmem>>, vector<16xf32>,
          %swap3A_395 = vector.shape_cast %swap3A_394 : vector<16xf32> to vector<16xf32>
          %swap3A_396 = vector.shape_cast %scan3A_211 : vector<16xf32> to vector<16xf32>
          tpu.vector_store %swap3A_392[%swap3A_393], %swap3A_396 {strides = array<i32>} : memref<128xf32, #tpu.memory_space<vmem>>, vector<16xf32>,
          %swap3A_397 = arith.constant 0 : i32
          %swap3A_398 = arith.constant 0 : i32
          %swap3A_399 = tpu.memref_slice %arg10[%swap3A_397, %swap3A_398] : memref<1x128xf32, #tpu.memory_space<vmem>> -> memref<1x128xf32, #tpu.memory_space<vmem>>
          %swap3A_400 = tpu.memref_squeeze %swap3A_399 : memref<1x128xf32, #tpu.memory_space<vmem>> -> memref<128xf32, #tpu.memory_space<vmem>>
          %swap3A_401 = arith.constant 32 : index
          %swap3A_402 = tpu.vector_load %swap3A_400[%swap3A_401] {strides = array<i32>} : memref<128xf32, #tpu.memory_space<vmem>>, vector<16xf32>,
          %swap3A_403 = vector.shape_cast %swap3A_402 : vector<16xf32> to vector<16xf32>
          %swap3A_404 = vector.shape_cast %scan3A_212 : vector<16xf32> to vector<16xf32>
          tpu.vector_store %swap3A_400[%swap3A_401], %swap3A_404 {strides = array<i32>} : memref<128xf32, #tpu.memory_space<vmem>>, vector<16xf32>,
          %swap3A_405 = arith.constant 0 : i32
          %swap3A_406 = arith.constant 0 : i32
          %swap3A_407 = tpu.memref_slice %arg10[%swap3A_405, %swap3A_406] : memref<1x128xf32, #tpu.memory_space<vmem>> -> memref<1x128xf32, #tpu.memory_space<vmem>>
          %swap3A_408 = tpu.memref_squeeze %swap3A_407 : memref<1x128xf32, #tpu.memory_space<vmem>> -> memref<128xf32, #tpu.memory_space<vmem>>
          %swap3A_409 = arith.constant 48 : index
          %swap3A_410 = tpu.vector_load %swap3A_408[%swap3A_409] {strides = array<i32>} : memref<128xf32, #tpu.memory_space<vmem>>, vector<16xf32>,
          %swap3A_411 = vector.shape_cast %swap3A_410 : vector<16xf32> to vector<16xf32>
          %swap3A_412 = vector.shape_cast %scan3A_213 : vector<16xf32> to vector<16xf32>
          tpu.vector_store %swap3A_408[%swap3A_409], %swap3A_412 {strides = array<i32>} : memref<128xf32, #tpu.memory_space<vmem>>, vector<16xf32>,
          %swap3A_413 = arith.constant 0 : i32
          %swap3A_414 = arith.constant 0 : i32
          %swap3A_415 = tpu.memref_slice %arg10[%swap3A_413, %swap3A_414] : memref<1x128xf32, #tpu.memory_space<vmem>> -> memref<1x128xf32, #tpu.memory_space<vmem>>
          %swap3A_416 = tpu.memref_squeeze %swap3A_415 : memref<1x128xf32, #tpu.memory_space<vmem>> -> memref<128xf32, #tpu.memory_space<vmem>>
          %swap3A_417 = arith.constant 64 : index
          %swap3A_418 = tpu.vector_load %swap3A_416[%swap3A_417] {strides = array<i32>} : memref<128xf32, #tpu.memory_space<vmem>>, vector<16xf32>,
          %swap3A_419 = vector.shape_cast %swap3A_418 : vector<16xf32> to vector<16xf32>
          %swap3A_420 = vector.shape_cast %scan3A_214 : vector<16xf32> to vector<16xf32>
          tpu.vector_store %swap3A_416[%swap3A_417], %swap3A_420 {strides = array<i32>} : memref<128xf32, #tpu.memory_space<vmem>>, vector<16xf32>,
          %swap3A_421 = arith.constant 0 : i32
          %swap3A_422 = arith.constant 0 : i32
          %swap3A_423 = tpu.memref_slice %arg10[%swap3A_421, %swap3A_422] : memref<1x128xf32, #tpu.memory_space<vmem>> -> memref<1x128xf32, #tpu.memory_space<vmem>>
          %swap3A_424 = tpu.memref_squeeze %swap3A_423 : memref<1x128xf32, #tpu.memory_space<vmem>> -> memref<128xf32, #tpu.memory_space<vmem>>
          %swap3A_425 = arith.constant 80 : index
          %swap3A_426 = tpu.vector_load %swap3A_424[%swap3A_425] {strides = array<i32>} : memref<128xf32, #tpu.memory_space<vmem>>, vector<16xf32>,
          %swap3A_427 = vector.shape_cast %swap3A_426 : vector<16xf32> to vector<16xf32>
          %swap3A_428 = vector.shape_cast %scan3A_215 : vector<16xf32> to vector<16xf32>
          tpu.vector_store %swap3A_424[%swap3A_425], %swap3A_428 {strides = array<i32>} : memref<128xf32, #tpu.memory_space<vmem>>, vector<16xf32>,
          %swap3A_429 = arith.constant 0 : i32
          %swap3A_430 = arith.constant 0 : i32
          %swap3A_431 = tpu.memref_slice %arg10[%swap3A_429, %swap3A_430] : memref<1x128xf32, #tpu.memory_space<vmem>> -> memref<1x128xf32, #tpu.memory_space<vmem>>
          %swap3A_432 = tpu.memref_squeeze %swap3A_431 : memref<1x128xf32, #tpu.memory_space<vmem>> -> memref<128xf32, #tpu.memory_space<vmem>>
          %swap3A_433 = arith.constant 96 : index
          %swap3A_434 = tpu.vector_load %swap3A_432[%swap3A_433] {strides = array<i32>} : memref<128xf32, #tpu.memory_space<vmem>>, vector<16xf32>,
          %swap3A_435 = vector.shape_cast %swap3A_434 : vector<16xf32> to vector<16xf32>
          %swap3A_436 = vector.shape_cast %scan3A_216 : vector<16xf32> to vector<16xf32>
          tpu.vector_store %swap3A_432[%swap3A_433], %swap3A_436 {strides = array<i32>} : memref<128xf32, #tpu.memory_space<vmem>>, vector<16xf32>,
          %swap3A_437 = arith.constant 0 : i32
          %swap3A_438 = arith.constant 0 : i32
          %swap3A_439 = tpu.memref_slice %arg10[%swap3A_437, %swap3A_438] : memref<1x128xf32, #tpu.memory_space<vmem>> -> memref<1x128xf32, #tpu.memory_space<vmem>>
          %swap3A_440 = tpu.memref_squeeze %swap3A_439 : memref<1x128xf32, #tpu.memory_space<vmem>> -> memref<128xf32, #tpu.memory_space<vmem>>
          %swap3A_441 = arith.constant 112 : index
          %swap3A_442 = tpu.vector_load %swap3A_440[%swap3A_441] {strides = array<i32>} : memref<128xf32, #tpu.memory_space<vmem>>, vector<16xf32>,
          %swap3A_443 = vector.shape_cast %swap3A_442 : vector<16xf32> to vector<16xf32>
          %swap3A_444 = vector.shape_cast %scan3A_217 : vector<16xf32> to vector<16xf32>
          tpu.vector_store %swap3A_440[%swap3A_441], %swap3A_444 {strides = array<i32>} : memref<128xf32, #tpu.memory_space<vmem>>, vector<16xf32>,
          %eq3A_445 = arith.constant 0 : i32
          %eq3A_446 = arith.cmpi eq, %scan3A_209, %eq3A_445 : i32
          %convert_element_type3A_447 = arith.extui %eq3A_446 : i1 to i32
          %cond3A_448 = arith.constant 0 : i32
          %cond3A_449 = arith.cmpi ne, %convert_element_type3A_447, %cond3A_448 : i32
          scf.if %cond3A_449 {
            %mul3A_455 = arith.constant 2 : i32
            %mul3A_456 = arith.muli %mul3A_455, %arg1 : i32
            %add3A_457 = arith.constant 10000 : i32
            %add3A_458 = arith.addi %add3A_457, %mul3A_456 : i32
            "tpu.region"() ({
              %run_scoped3A = tpu.sem_alloc : memref<!tpu.dma_semaphore, #tpu.memory_space<semaphore_mem>>
              %dma_start3A_531 = arith.constant 0 : i32
              %dma_start3A_532 = tpu.memref_slice %arg15[%add3A_458, %dma_start3A_531] : memref<10032x128xf32, #tpu.memory_space<vmem_shared>> -> memref<1x128xf32, #tpu.memory_space<vmem_shared>>
              %dma_start3A_533 = arith.constant 0 : i32
              %dma_start3A_534 = tpu.memref_slice %arg15[%add3A_458, %dma_start3A_533] : memref<10032x128xf32, #tpu.memory_space<vmem_shared>> -> memref<1x128xf32, #tpu.memory_space<vmem_shared>>
              tpu.enqueue_dma source(%arg10 : memref<1x128xf32, #tpu.memory_space<vmem>>) target(%dma_start3A_534 : memref<1x128xf32, #tpu.memory_space<vmem_shared>>) target_semaphore(%run_scoped3A : memref<!tpu.dma_semaphore, #tpu.memory_space<semaphore_mem>>)
              %dma_wait3A_535 = arith.constant 0 : i32
              %dma_wait3A_536 = tpu.memref_slice %arg15[%add3A_458, %dma_wait3A_535] : memref<10032x128xf32, #tpu.memory_space<vmem_shared>> -> memref<1x128xf32, #tpu.memory_space<vmem_shared>>
              %dma_wait3A_537 = arith.constant 0 : i32
              %dma_wait3A_538 = tpu.memref_slice %arg15[%add3A_458, %dma_wait3A_537] : memref<10032x128xf32, #tpu.memory_space<vmem_shared>> -> memref<1x128xf32, #tpu.memory_space<vmem_shared>>
              tpu.wait_dma2 semaphore(%run_scoped3A : memref<!tpu.dma_semaphore, #tpu.memory_space<semaphore_mem>>) src(%arg10 : memref<1x128xf32, #tpu.memory_space<vmem>>) dst(%dma_wait3A_538 : memref<1x128xf32, #tpu.memory_space<vmem_shared>>)
              tpu.yield
            }) : () -> ()
            %broadcast_in_dim3A_459 = vector.broadcast %scan3A_208 : i32 to vector<16xi32>
            %convert_element_type3A_460 = arith.sitofp %broadcast_in_dim3A_459 : vector<16xi32> to vector<16xf32>
            %swap3A_461 = arith.constant 0 : i32
            %swap3A_462 = arith.constant 0 : i32
            %swap3A_463 = tpu.memref_slice %arg11[%swap3A_461, %swap3A_462] : memref<1x128xf32, #tpu.memory_space<vmem>> -> memref<1x128xf32, #tpu.memory_space<vmem>>
            %swap3A_464 = tpu.memref_squeeze %swap3A_463 : memref<1x128xf32, #tpu.memory_space<vmem>> -> memref<128xf32, #tpu.memory_space<vmem>>
            %swap3A_465 = arith.constant 0 : index
            %swap3A_466 = tpu.vector_load %swap3A_464[%swap3A_465] {strides = array<i32>} : memref<128xf32, #tpu.memory_space<vmem>>, vector<16xf32>,
            %swap3A_467 = vector.shape_cast %swap3A_466 : vector<16xf32> to vector<16xf32>
            %swap3A_468 = vector.shape_cast %convert_element_type3A_460 : vector<16xf32> to vector<16xf32>
            tpu.vector_store %swap3A_464[%swap3A_465], %swap3A_468 {strides = array<i32>} : memref<128xf32, #tpu.memory_space<vmem>>, vector<16xf32>,
            %swap3A_469 = arith.constant 0 : i32
            %swap3A_470 = arith.constant 0 : i32
            %swap3A_471 = tpu.memref_slice %arg11[%swap3A_469, %swap3A_470] : memref<1x128xf32, #tpu.memory_space<vmem>> -> memref<1x128xf32, #tpu.memory_space<vmem>>
            %swap3A_472 = tpu.memref_squeeze %swap3A_471 : memref<1x128xf32, #tpu.memory_space<vmem>> -> memref<128xf32, #tpu.memory_space<vmem>>
            %swap3A_473 = arith.constant 16 : index
            %swap3A_474 = tpu.vector_load %swap3A_472[%swap3A_473] {strides = array<i32>} : memref<128xf32, #tpu.memory_space<vmem>>, vector<16xf32>,
            %swap3A_475 = vector.shape_cast %swap3A_474 : vector<16xf32> to vector<16xf32>
            %swap3A_476 = vector.shape_cast %convert_element_type3A_460 : vector<16xf32> to vector<16xf32>
            tpu.vector_store %swap3A_472[%swap3A_473], %swap3A_476 {strides = array<i32>} : memref<128xf32, #tpu.memory_space<vmem>>, vector<16xf32>,
            %swap3A_477 = arith.constant 0 : i32
            %swap3A_478 = arith.constant 0 : i32
            %swap3A_479 = tpu.memref_slice %arg11[%swap3A_477, %swap3A_478] : memref<1x128xf32, #tpu.memory_space<vmem>> -> memref<1x128xf32, #tpu.memory_space<vmem>>
            %swap3A_480 = tpu.memref_squeeze %swap3A_479 : memref<1x128xf32, #tpu.memory_space<vmem>> -> memref<128xf32, #tpu.memory_space<vmem>>
            %swap3A_481 = arith.constant 32 : index
            %swap3A_482 = tpu.vector_load %swap3A_480[%swap3A_481] {strides = array<i32>} : memref<128xf32, #tpu.memory_space<vmem>>, vector<16xf32>,
            %swap3A_483 = vector.shape_cast %swap3A_482 : vector<16xf32> to vector<16xf32>
            %swap3A_484 = vector.shape_cast %convert_element_type3A_460 : vector<16xf32> to vector<16xf32>
            tpu.vector_store %swap3A_480[%swap3A_481], %swap3A_484 {strides = array<i32>} : memref<128xf32, #tpu.memory_space<vmem>>, vector<16xf32>,
            %swap3A_485 = arith.constant 0 : i32
            %swap3A_486 = arith.constant 0 : i32
            %swap3A_487 = tpu.memref_slice %arg11[%swap3A_485, %swap3A_486] : memref<1x128xf32, #tpu.memory_space<vmem>> -> memref<1x128xf32, #tpu.memory_space<vmem>>
            %swap3A_488 = tpu.memref_squeeze %swap3A_487 : memref<1x128xf32, #tpu.memory_space<vmem>> -> memref<128xf32, #tpu.memory_space<vmem>>
            %swap3A_489 = arith.constant 48 : index
            %swap3A_490 = tpu.vector_load %swap3A_488[%swap3A_489] {strides = array<i32>} : memref<128xf32, #tpu.memory_space<vmem>>, vector<16xf32>,
            %swap3A_491 = vector.shape_cast %swap3A_490 : vector<16xf32> to vector<16xf32>
            %swap3A_492 = vector.shape_cast %convert_element_type3A_460 : vector<16xf32> to vector<16xf32>
            tpu.vector_store %swap3A_488[%swap3A_489], %swap3A_492 {strides = array<i32>} : memref<128xf32, #tpu.memory_space<vmem>>, vector<16xf32>,
            %swap3A_493 = arith.constant 0 : i32
            %swap3A_494 = arith.constant 0 : i32
            %swap3A_495 = tpu.memref_slice %arg11[%swap3A_493, %swap3A_494] : memref<1x128xf32, #tpu.memory_space<vmem>> -> memref<1x128xf32, #tpu.memory_space<vmem>>
            %swap3A_496 = tpu.memref_squeeze %swap3A_495 : memref<1x128xf32, #tpu.memory_space<vmem>> -> memref<128xf32, #tpu.memory_space<vmem>>
            %swap3A_497 = arith.constant 64 : index
            %swap3A_498 = tpu.vector_load %swap3A_496[%swap3A_497] {strides = array<i32>} : memref<128xf32, #tpu.memory_space<vmem>>, vector<16xf32>,
            %swap3A_499 = vector.shape_cast %swap3A_498 : vector<16xf32> to vector<16xf32>
            %swap3A_500 = vector.shape_cast %convert_element_type3A_460 : vector<16xf32> to vector<16xf32>
            tpu.vector_store %swap3A_496[%swap3A_497], %swap3A_500 {strides = array<i32>} : memref<128xf32, #tpu.memory_space<vmem>>, vector<16xf32>,
            %swap3A_501 = arith.constant 0 : i32
            %swap3A_502 = arith.constant 0 : i32
            %swap3A_503 = tpu.memref_slice %arg11[%swap3A_501, %swap3A_502] : memref<1x128xf32, #tpu.memory_space<vmem>> -> memref<1x128xf32, #tpu.memory_space<vmem>>
            %swap3A_504 = tpu.memref_squeeze %swap3A_503 : memref<1x128xf32, #tpu.memory_space<vmem>> -> memref<128xf32, #tpu.memory_space<vmem>>
            %swap3A_505 = arith.constant 80 : index
            %swap3A_506 = tpu.vector_load %swap3A_504[%swap3A_505] {strides = array<i32>} : memref<128xf32, #tpu.memory_space<vmem>>, vector<16xf32>,
            %swap3A_507 = vector.shape_cast %swap3A_506 : vector<16xf32> to vector<16xf32>
            %swap3A_508 = vector.shape_cast %convert_element_type3A_460 : vector<16xf32> to vector<16xf32>
            tpu.vector_store %swap3A_504[%swap3A_505], %swap3A_508 {strides = array<i32>} : memref<128xf32, #tpu.memory_space<vmem>>, vector<16xf32>,
            %swap3A_509 = arith.constant 0 : i32
            %swap3A_510 = arith.constant 0 : i32
            %swap3A_511 = tpu.memref_slice %arg11[%swap3A_509, %swap3A_510] : memref<1x128xf32, #tpu.memory_space<vmem>> -> memref<1x128xf32, #tpu.memory_space<vmem>>
            %swap3A_512 = tpu.memref_squeeze %swap3A_511 : memref<1x128xf32, #tpu.memory_space<vmem>> -> memref<128xf32, #tpu.memory_space<vmem>>
            %swap3A_513 = arith.constant 96 : index
            %swap3A_514 = tpu.vector_load %swap3A_512[%swap3A_513] {strides = array<i32>} : memref<128xf32, #tpu.memory_space<vmem>>, vector<16xf32>,
            %swap3A_515 = vector.shape_cast %swap3A_514 : vector<16xf32> to vector<16xf32>
            %swap3A_516 = vector.shape_cast %convert_element_type3A_460 : vector<16xf32> to vector<16xf32>
            tpu.vector_store %swap3A_512[%swap3A_513], %swap3A_516 {strides = array<i32>} : memref<128xf32, #tpu.memory_space<vmem>>, vector<16xf32>,
            %swap3A_517 = arith.constant 0 : i32
            %swap3A_518 = arith.constant 0 : i32
            %swap3A_519 = tpu.memref_slice %arg11[%swap3A_517, %swap3A_518] : memref<1x128xf32, #tpu.memory_space<vmem>> -> memref<1x128xf32, #tpu.memory_space<vmem>>
            %swap3A_520 = tpu.memref_squeeze %swap3A_519 : memref<1x128xf32, #tpu.memory_space<vmem>> -> memref<128xf32, #tpu.memory_space<vmem>>
            %swap3A_521 = arith.constant 112 : index
            %swap3A_522 = tpu.vector_load %swap3A_520[%swap3A_521] {strides = array<i32>} : memref<128xf32, #tpu.memory_space<vmem>>, vector<16xf32>,
            %swap3A_523 = vector.shape_cast %swap3A_522 : vector<16xf32> to vector<16xf32>
            %swap3A_524 = vector.shape_cast %convert_element_type3A_460 : vector<16xf32> to vector<16xf32>
            tpu.vector_store %swap3A_520[%swap3A_521], %swap3A_524 {strides = array<i32>} : memref<128xf32, #tpu.memory_space<vmem>>, vector<16xf32>,
            %mul3A_525 = arith.constant 2 : i32
            %mul3A_526 = arith.muli %mul3A_525, %arg1 : i32
            %add3A_527 = arith.constant 10000 : i32
            %add3A_528 = arith.addi %add3A_527, %mul3A_526 : i32
            %add3A_529 = arith.constant 1 : i32
            %add3A_530 = arith.addi %add3A_528, %add3A_529 : i32
            "tpu.region"() ({
              %run_scoped3A = tpu.sem_alloc : memref<!tpu.dma_semaphore, #tpu.memory_space<semaphore_mem>>
              %dma_start3A_531 = arith.constant 0 : i32
              %dma_start3A_532 = tpu.memref_slice %arg15[%add3A_530, %dma_start3A_531] : memref<10032x128xf32, #tpu.memory_space<vmem_shared>> -> memref<1x128xf32, #tpu.memory_space<vmem_shared>>
              %dma_start3A_533 = arith.constant 0 : i32
              %dma_start3A_534 = tpu.memref_slice %arg15[%add3A_530, %dma_start3A_533] : memref<10032x128xf32, #tpu.memory_space<vmem_shared>> -> memref<1x128xf32, #tpu.memory_space<vmem_shared>>
              tpu.enqueue_dma source(%arg11 : memref<1x128xf32, #tpu.memory_space<vmem>>) target(%dma_start3A_534 : memref<1x128xf32, #tpu.memory_space<vmem_shared>>) target_semaphore(%run_scoped3A : memref<!tpu.dma_semaphore, #tpu.memory_space<semaphore_mem>>)
              %dma_wait3A_535 = arith.constant 0 : i32
              %dma_wait3A_536 = tpu.memref_slice %arg15[%add3A_530, %dma_wait3A_535] : memref<10032x128xf32, #tpu.memory_space<vmem_shared>> -> memref<1x128xf32, #tpu.memory_space<vmem_shared>>
              %dma_wait3A_537 = arith.constant 0 : i32
              %dma_wait3A_538 = tpu.memref_slice %arg15[%add3A_530, %dma_wait3A_537] : memref<10032x128xf32, #tpu.memory_space<vmem_shared>> -> memref<1x128xf32, #tpu.memory_space<vmem_shared>>
              tpu.wait_dma2 semaphore(%run_scoped3A : memref<!tpu.dma_semaphore, #tpu.memory_space<semaphore_mem>>) src(%arg11 : memref<1x128xf32, #tpu.memory_space<vmem>>) dst(%dma_wait3A_538 : memref<1x128xf32, #tpu.memory_space<vmem_shared>>)
              tpu.yield
            }) : () -> ()
          } else {
          }
          %eq3A_450 = arith.constant 1 : i32
          %eq3A_451 = arith.cmpi eq, %scan3A_209, %eq3A_450 : i32
          %convert_element_type3A_452 = arith.extui %eq3A_451 : i1 to i32
          %cond3A_453 = arith.constant 0 : i32
          %cond3A_454 = arith.cmpi ne, %convert_element_type3A_452, %cond3A_453 : i32
          scf.if %cond3A_454 {
            "tpu.region"() ({
              %run_scoped3A = tpu.sem_alloc : memref<!tpu.dma_semaphore, #tpu.memory_space<semaphore_mem>>
              %dma_start3A_455 = arith.constant 0 : i32
              %dma_start3A_456 = tpu.memref_slice %arg15[%scan3A_208, %dma_start3A_455] : memref<10032x128xf32, #tpu.memory_space<vmem_shared>> -> memref<1x128xf32, #tpu.memory_space<vmem_shared>>
              %dma_start3A_457 = arith.constant 0 : i32
              %dma_start3A_458 = tpu.memref_slice %arg15[%scan3A_208, %dma_start3A_457] : memref<10032x128xf32, #tpu.memory_space<vmem_shared>> -> memref<1x128xf32, #tpu.memory_space<vmem_shared>>
              tpu.enqueue_dma source(%arg10 : memref<1x128xf32, #tpu.memory_space<vmem>>) target(%dma_start3A_458 : memref<1x128xf32, #tpu.memory_space<vmem_shared>>) target_semaphore(%run_scoped3A : memref<!tpu.dma_semaphore, #tpu.memory_space<semaphore_mem>>)
              %dma_wait3A_459 = arith.constant 0 : i32
              %dma_wait3A_460 = tpu.memref_slice %arg15[%scan3A_208, %dma_wait3A_459] : memref<10032x128xf32, #tpu.memory_space<vmem_shared>> -> memref<1x128xf32, #tpu.memory_space<vmem_shared>>
              %dma_wait3A_461 = arith.constant 0 : i32
              %dma_wait3A_462 = tpu.memref_slice %arg15[%scan3A_208, %dma_wait3A_461] : memref<10032x128xf32, #tpu.memory_space<vmem_shared>> -> memref<1x128xf32, #tpu.memory_space<vmem_shared>>
              tpu.wait_dma2 semaphore(%run_scoped3A : memref<!tpu.dma_semaphore, #tpu.memory_space<semaphore_mem>>) src(%arg10 : memref<1x128xf32, #tpu.memory_space<vmem>>) dst(%dma_wait3A_462 : memref<1x128xf32, #tpu.memory_space<vmem_shared>>)
              tpu.yield
            }) : () -> ()
          } else {
          }
        } else {
        }
        %convert_element_type3A_234 = arith.extui %and3A_230 : i1 to i32
        %or3A = arith.ori %scan3A_209, %convert_element_type3A_234 : i32
        %mul3A_235 = arith.constant 2 : i32
        %mul3A_236 = arith.muli %mul3A_235, %scan3A_207 : i32
        %get3A_237 = arith.constant 0 : i32
        %get3A_238 = tpu.memref_slice %arg9[%mul3A_236, %get3A_237] : memref<80x128xf32, #tpu.memory_space<vmem>> -> memref<1x128xf32, #tpu.memory_space<vmem>>
        %get3A_239 = tpu.memref_squeeze %get3A_238 : memref<1x128xf32, #tpu.memory_space<vmem>> -> memref<128xf32, #tpu.memory_space<vmem>>
        %get3A_240 = arith.constant 0 : index
        %get3A_241 = tpu.vector_load %get3A_239[%get3A_240] {strides = array<i32>} : memref<128xf32, #tpu.memory_space<vmem>>, vector<16xf32>,
        %get3A_242 = vector.shape_cast %get3A_241 : vector<16xf32> to vector<16xf32>
        %mul3A_243 = arith.constant 2 : i32
        %mul3A_244 = arith.muli %mul3A_243, %scan3A_207 : i32
        %add3A_245 = arith.constant 1 : i32
        %add3A_246 = arith.addi %mul3A_244, %add3A_245 : i32
        %get3A_247 = arith.constant 0 : i32
        %get3A_248 = tpu.memref_slice %arg9[%add3A_246, %get3A_247] : memref<80x128xf32, #tpu.memory_space<vmem>> -> memref<1x128xf32, #tpu.memory_space<vmem>>
        %get3A_249 = tpu.memref_squeeze %get3A_248 : memref<1x128xf32, #tpu.memory_space<vmem>> -> memref<128xf32, #tpu.memory_space<vmem>>
        %get3A_250 = arith.constant 64 : index
        %get3A_251 = tpu.vector_load %get3A_249[%get3A_250] {strides = array<i32>} : memref<128xf32, #tpu.memory_space<vmem>>, vector<16xf32>,
        %get3A_252 = vector.shape_cast %get3A_251 : vector<16xf32> to vector<16xf32>
        %add3A_253 = arith.addf %get3A_242, %get3A_252 : vector<16xf32>
        %max3A = arith.constant 0.000000e+00 : f32
        %max3A_254 = vector.broadcast %max3A : f32 to vector<16xf32>
        %max3A_255 = arith.maximumf %add3A_253, %max3A_254 : vector<16xf32>
        %add3A_256 = arith.constant 1.000000e-07 : f32
        %add3A_257 = vector.broadcast %add3A_256 : f32 to vector<16xf32>
        %add3A_258 = arith.addf %max3A_255, %add3A_257 : vector<16xf32>
        %mul3A_259 = arith.mulf %add3A_258, %get3A_45 : vector<16xf32>
        %sub3A_260 = arith.subf %mul3A_259, %get3A_48 : vector<16xf32>
        %exp3A = math.exp %sub3A_260 : vector<16xf32>
        %jit3A_261 = arith.constant 0.000000e+00 : f32
        %broadcast_in_dim3A_262 = vector.broadcast %jit3A_261 : f32 to vector<16xf32>
        %select_n3A_263 = arith.select %and3A_230, %broadcast_in_dim3A_262, %scan3A_210 : vector<16xf32>
        %jit3A_264 = arith.constant 0.000000e+00 : f32
        %broadcast_in_dim3A_265 = vector.broadcast %jit3A_264 : f32 to vector<16xf32>
        %select_n3A_266 = arith.select %and3A_230, %broadcast_in_dim3A_265, %scan3A_214 : vector<16xf32>
        %add3A_267 = arith.addf %select_n3A_263, %exp3A : vector<16xf32>
        %mul3A_268 = arith.mulf %add3A_258, %exp3A : vector<16xf32>
        %add3A_269 = arith.addf %select_n3A_266, %mul3A_268 : vector<16xf32>
        %mul3A_270 = arith.constant 2 : i32
        %mul3A_271 = arith.muli %mul3A_270, %scan3A_207 : i32
        %get3A_272 = arith.constant 0 : i32
        %get3A_273 = tpu.memref_slice %arg9[%mul3A_271, %get3A_272] : memref<80x128xf32, #tpu.memory_space<vmem>> -> memref<1x128xf32, #tpu.memory_space<vmem>>
        %get3A_274 = tpu.memref_squeeze %get3A_273 : memref<1x128xf32, #tpu.memory_space<vmem>> -> memref<128xf32, #tpu.memory_space<vmem>>
        %get3A_275 = arith.constant 16 : index
        %get3A_276 = tpu.vector_load %get3A_274[%get3A_275] {strides = array<i32>} : memref<128xf32, #tpu.memory_space<vmem>>, vector<16xf32>,
        %get3A_277 = vector.shape_cast %get3A_276 : vector<16xf32> to vector<16xf32>
        %mul3A_278 = arith.constant 2 : i32
        %mul3A_279 = arith.muli %mul3A_278, %scan3A_207 : i32
        %add3A_280 = arith.constant 1 : i32
        %add3A_281 = arith.addi %mul3A_279, %add3A_280 : i32
        %get3A_282 = arith.constant 0 : i32
        %get3A_283 = tpu.memref_slice %arg9[%add3A_281, %get3A_282] : memref<80x128xf32, #tpu.memory_space<vmem>> -> memref<1x128xf32, #tpu.memory_space<vmem>>
        %get3A_284 = tpu.memref_squeeze %get3A_283 : memref<1x128xf32, #tpu.memory_space<vmem>> -> memref<128xf32, #tpu.memory_space<vmem>>
        %get3A_285 = arith.constant 80 : index
        %get3A_286 = tpu.vector_load %get3A_284[%get3A_285] {strides = array<i32>} : memref<128xf32, #tpu.memory_space<vmem>>, vector<16xf32>,
        %get3A_287 = vector.shape_cast %get3A_286 : vector<16xf32> to vector<16xf32>
        %add3A_288 = arith.addf %get3A_277, %get3A_287 : vector<16xf32>
        %max3A_289 = arith.constant 0.000000e+00 : f32
        %max3A_290 = vector.broadcast %max3A_289 : f32 to vector<16xf32>
        %max3A_291 = arith.maximumf %add3A_288, %max3A_290 : vector<16xf32>
        %add3A_292 = arith.constant 1.000000e-07 : f32
        %add3A_293 = vector.broadcast %add3A_292 : f32 to vector<16xf32>
        %add3A_294 = arith.addf %max3A_291, %add3A_293 : vector<16xf32>
        %mul3A_295 = arith.mulf %add3A_294, %get3A_45 : vector<16xf32>
        %sub3A_296 = arith.subf %mul3A_295, %get3A_51 : vector<16xf32>
        %exp3A_297 = math.exp %sub3A_296 : vector<16xf32>
        %jit3A_298 = arith.constant 0.000000e+00 : f32
        %broadcast_in_dim3A_299 = vector.broadcast %jit3A_298 : f32 to vector<16xf32>
        %select_n3A_300 = arith.select %and3A_230, %broadcast_in_dim3A_299, %scan3A_211 : vector<16xf32>
        %jit3A_301 = arith.constant 0.000000e+00 : f32
        %broadcast_in_dim3A_302 = vector.broadcast %jit3A_301 : f32 to vector<16xf32>
        %select_n3A_303 = arith.select %and3A_230, %broadcast_in_dim3A_302, %scan3A_215 : vector<16xf32>
        %add3A_304 = arith.addf %select_n3A_300, %exp3A_297 : vector<16xf32>
        %mul3A_305 = arith.mulf %add3A_294, %exp3A_297 : vector<16xf32>
        %add3A_306 = arith.addf %select_n3A_303, %mul3A_305 : vector<16xf32>
        %mul3A_307 = arith.constant 2 : i32
        %mul3A_308 = arith.muli %mul3A_307, %scan3A_207 : i32
        %get3A_309 = arith.constant 0 : i32
        %get3A_310 = tpu.memref_slice %arg9[%mul3A_308, %get3A_309] : memref<80x128xf32, #tpu.memory_space<vmem>> -> memref<1x128xf32, #tpu.memory_space<vmem>>
        %get3A_311 = tpu.memref_squeeze %get3A_310 : memref<1x128xf32, #tpu.memory_space<vmem>> -> memref<128xf32, #tpu.memory_space<vmem>>
        %get3A_312 = arith.constant 32 : index
        %get3A_313 = tpu.vector_load %get3A_311[%get3A_312] {strides = array<i32>} : memref<128xf32, #tpu.memory_space<vmem>>, vector<16xf32>,
        %get3A_314 = vector.shape_cast %get3A_313 : vector<16xf32> to vector<16xf32>
        %mul3A_315 = arith.constant 2 : i32
        %mul3A_316 = arith.muli %mul3A_315, %scan3A_207 : i32
        %add3A_317 = arith.constant 1 : i32
        %add3A_318 = arith.addi %mul3A_316, %add3A_317 : i32
        %get3A_319 = arith.constant 0 : i32
        %get3A_320 = tpu.memref_slice %arg9[%add3A_318, %get3A_319] : memref<80x128xf32, #tpu.memory_space<vmem>> -> memref<1x128xf32, #tpu.memory_space<vmem>>
        %get3A_321 = tpu.memref_squeeze %get3A_320 : memref<1x128xf32, #tpu.memory_space<vmem>> -> memref<128xf32, #tpu.memory_space<vmem>>
        %get3A_322 = arith.constant 96 : index
        %get3A_323 = tpu.vector_load %get3A_321[%get3A_322] {strides = array<i32>} : memref<128xf32, #tpu.memory_space<vmem>>, vector<16xf32>,
        %get3A_324 = vector.shape_cast %get3A_323 : vector<16xf32> to vector<16xf32>
        %add3A_325 = arith.addf %get3A_314, %get3A_324 : vector<16xf32>
        %max3A_326 = arith.constant 0.000000e+00 : f32
        %max3A_327 = vector.broadcast %max3A_326 : f32 to vector<16xf32>
        %max3A_328 = arith.maximumf %add3A_325, %max3A_327 : vector<16xf32>
        %add3A_329 = arith.constant 1.000000e-07 : f32
        %add3A_330 = vector.broadcast %add3A_329 : f32 to vector<16xf32>
        %add3A_331 = arith.addf %max3A_328, %add3A_330 : vector<16xf32>
        %mul3A_332 = arith.mulf %add3A_331, %get3A_45 : vector<16xf32>
        %sub3A_333 = arith.subf %mul3A_332, %get3A_54 : vector<16xf32>
        %exp3A_334 = math.exp %sub3A_333 : vector<16xf32>
        %jit3A_335 = arith.constant 0.000000e+00 : f32
        %broadcast_in_dim3A_336 = vector.broadcast %jit3A_335 : f32 to vector<16xf32>
        %select_n3A_337 = arith.select %and3A_230, %broadcast_in_dim3A_336, %scan3A_212 : vector<16xf32>
        %jit3A_338 = arith.constant 0.000000e+00 : f32
        %broadcast_in_dim3A_339 = vector.broadcast %jit3A_338 : f32 to vector<16xf32>
        %select_n3A_340 = arith.select %and3A_230, %broadcast_in_dim3A_339, %scan3A_216 : vector<16xf32>
        %add3A_341 = arith.addf %select_n3A_337, %exp3A_334 : vector<16xf32>
        %mul3A_342 = arith.mulf %add3A_331, %exp3A_334 : vector<16xf32>
        %add3A_343 = arith.addf %select_n3A_340, %mul3A_342 : vector<16xf32>
        %mul3A_344 = arith.constant 2 : i32
        %mul3A_345 = arith.muli %mul3A_344, %scan3A_207 : i32
        %get3A_346 = arith.constant 0 : i32
        %get3A_347 = tpu.memref_slice %arg9[%mul3A_345, %get3A_346] : memref<80x128xf32, #tpu.memory_space<vmem>> -> memref<1x128xf32, #tpu.memory_space<vmem>>
        %get3A_348 = tpu.memref_squeeze %get3A_347 : memref<1x128xf32, #tpu.memory_space<vmem>> -> memref<128xf32, #tpu.memory_space<vmem>>
        %get3A_349 = arith.constant 48 : index
        %get3A_350 = tpu.vector_load %get3A_348[%get3A_349] {strides = array<i32>} : memref<128xf32, #tpu.memory_space<vmem>>, vector<16xf32>,
        %get3A_351 = vector.shape_cast %get3A_350 : vector<16xf32> to vector<16xf32>
        %mul3A_352 = arith.constant 2 : i32
        %mul3A_353 = arith.muli %mul3A_352, %scan3A_207 : i32
        %add3A_354 = arith.constant 1 : i32
        %add3A_355 = arith.addi %mul3A_353, %add3A_354 : i32
        %get3A_356 = arith.constant 0 : i32
        %get3A_357 = tpu.memref_slice %arg9[%add3A_355, %get3A_356] : memref<80x128xf32, #tpu.memory_space<vmem>> -> memref<1x128xf32, #tpu.memory_space<vmem>>
        %get3A_358 = tpu.memref_squeeze %get3A_357 : memref<1x128xf32, #tpu.memory_space<vmem>> -> memref<128xf32, #tpu.memory_space<vmem>>
        %get3A_359 = arith.constant 112 : index
        %get3A_360 = tpu.vector_load %get3A_358[%get3A_359] {strides = array<i32>} : memref<128xf32, #tpu.memory_space<vmem>>, vector<16xf32>,
        %get3A_361 = vector.shape_cast %get3A_360 : vector<16xf32> to vector<16xf32>
        %add3A_362 = arith.addf %get3A_351, %get3A_361 : vector<16xf32>
        %max3A_363 = arith.constant 0.000000e+00 : f32
        %max3A_364 = vector.broadcast %max3A_363 : f32 to vector<16xf32>
        %max3A_365 = arith.maximumf %add3A_362, %max3A_364 : vector<16xf32>
        %add3A_366 = arith.constant 1.000000e-07 : f32
        %add3A_367 = vector.broadcast %add3A_366 : f32 to vector<16xf32>
        %add3A_368 = arith.addf %max3A_365, %add3A_367 : vector<16xf32>
        %mul3A_369 = arith.mulf %add3A_368, %get3A_45 : vector<16xf32>
        %sub3A_370 = arith.subf %mul3A_369, %get3A_57 : vector<16xf32>
        %exp3A_371 = math.exp %sub3A_370 : vector<16xf32>
        %jit3A_372 = arith.constant 0.000000e+00 : f32
        %broadcast_in_dim3A_373 = vector.broadcast %jit3A_372 : f32 to vector<16xf32>
        %select_n3A_374 = arith.select %and3A_230, %broadcast_in_dim3A_373, %scan3A_213 : vector<16xf32>
        %jit3A_375 = arith.constant 0.000000e+00 : f32
        %broadcast_in_dim3A_376 = vector.broadcast %jit3A_375 : f32 to vector<16xf32>
        %select_n3A_377 = arith.select %and3A_230, %broadcast_in_dim3A_376, %scan3A_217 : vector<16xf32>
        %add3A_378 = arith.addf %select_n3A_374, %exp3A_371 : vector<16xf32>
        %mul3A_379 = arith.mulf %add3A_368, %exp3A_371 : vector<16xf32>
        %add3A_380 = arith.addf %select_n3A_377, %mul3A_379 : vector<16xf32>
        scf.yield %squeeze3A, %or3A, %add3A_267, %add3A_304, %add3A_341, %add3A_378, %add3A_269, %add3A_306, %add3A_343, %add3A_380 : i32, i32, vector<16xf32>, vector<16xf32>, vector<16xf32>, vector<16xf32>, vector<16xf32>, vector<16xf32>, vector<16xf32>, vector<16xf32>
      }
      %scan3A_206 = arith.constant 40 : i32
      scf.yield %scan3A_205#0, %scan3A_205#1, %scan3A_205#2, %scan3A_205#3, %scan3A_205#4, %scan3A_205#5, %scan3A_205#6, %scan3A_205#7, %scan3A_205#8, %scan3A_205#9 : i32, i32, vector<16xf32>, vector<16xf32>, vector<16xf32>, vector<16xf32>, vector<16xf32>, vector<16xf32>, vector<16xf32>, vector<16xf32>
    }
    %scan3A_70 = arith.constant 125 : i32
    %swap3A = arith.constant 0 : i32
    %swap3A_71 = arith.constant 0 : i32
    %swap3A_72 = tpu.memref_slice %arg10[%swap3A, %swap3A_71] : memref<1x128xf32, #tpu.memory_space<vmem>> -> memref<1x128xf32, #tpu.memory_space<vmem>>
    %swap3A_73 = tpu.memref_squeeze %swap3A_72 : memref<1x128xf32, #tpu.memory_space<vmem>> -> memref<128xf32, #tpu.memory_space<vmem>>
    %swap3A_74 = arith.constant 0 : index
    %swap3A_75 = tpu.vector_load %swap3A_73[%swap3A_74] {strides = array<i32>} : memref<128xf32, #tpu.memory_space<vmem>>, vector<16xf32>,
    %swap3A_76 = vector.shape_cast %swap3A_75 : vector<16xf32> to vector<16xf32>
    %swap3A_77 = vector.shape_cast %scan3A_69#2 : vector<16xf32> to vector<16xf32>
    tpu.vector_store %swap3A_73[%swap3A_74], %swap3A_77 {strides = array<i32>} : memref<128xf32, #tpu.memory_space<vmem>>, vector<16xf32>,
    %swap3A_78 = arith.constant 0 : i32
    %swap3A_79 = arith.constant 0 : i32
    %swap3A_80 = tpu.memref_slice %arg10[%swap3A_78, %swap3A_79] : memref<1x128xf32, #tpu.memory_space<vmem>> -> memref<1x128xf32, #tpu.memory_space<vmem>>
    %swap3A_81 = tpu.memref_squeeze %swap3A_80 : memref<1x128xf32, #tpu.memory_space<vmem>> -> memref<128xf32, #tpu.memory_space<vmem>>
    %swap3A_82 = arith.constant 16 : index
    %swap3A_83 = tpu.vector_load %swap3A_81[%swap3A_82] {strides = array<i32>} : memref<128xf32, #tpu.memory_space<vmem>>, vector<16xf32>,
    %swap3A_84 = vector.shape_cast %swap3A_83 : vector<16xf32> to vector<16xf32>
    %swap3A_85 = vector.shape_cast %scan3A_69#3 : vector<16xf32> to vector<16xf32>
    tpu.vector_store %swap3A_81[%swap3A_82], %swap3A_85 {strides = array<i32>} : memref<128xf32, #tpu.memory_space<vmem>>, vector<16xf32>,
    %swap3A_86 = arith.constant 0 : i32
    %swap3A_87 = arith.constant 0 : i32
    %swap3A_88 = tpu.memref_slice %arg10[%swap3A_86, %swap3A_87] : memref<1x128xf32, #tpu.memory_space<vmem>> -> memref<1x128xf32, #tpu.memory_space<vmem>>
    %swap3A_89 = tpu.memref_squeeze %swap3A_88 : memref<1x128xf32, #tpu.memory_space<vmem>> -> memref<128xf32, #tpu.memory_space<vmem>>
    %swap3A_90 = arith.constant 32 : index
    %swap3A_91 = tpu.vector_load %swap3A_89[%swap3A_90] {strides = array<i32>} : memref<128xf32, #tpu.memory_space<vmem>>, vector<16xf32>,
    %swap3A_92 = vector.shape_cast %swap3A_91 : vector<16xf32> to vector<16xf32>
    %swap3A_93 = vector.shape_cast %scan3A_69#4 : vector<16xf32> to vector<16xf32>
    tpu.vector_store %swap3A_89[%swap3A_90], %swap3A_93 {strides = array<i32>} : memref<128xf32, #tpu.memory_space<vmem>>, vector<16xf32>,
    %swap3A_94 = arith.constant 0 : i32
    %swap3A_95 = arith.constant 0 : i32
    %swap3A_96 = tpu.memref_slice %arg10[%swap3A_94, %swap3A_95] : memref<1x128xf32, #tpu.memory_space<vmem>> -> memref<1x128xf32, #tpu.memory_space<vmem>>
    %swap3A_97 = tpu.memref_squeeze %swap3A_96 : memref<1x128xf32, #tpu.memory_space<vmem>> -> memref<128xf32, #tpu.memory_space<vmem>>
    %swap3A_98 = arith.constant 48 : index
    %swap3A_99 = tpu.vector_load %swap3A_97[%swap3A_98] {strides = array<i32>} : memref<128xf32, #tpu.memory_space<vmem>>, vector<16xf32>,
    %swap3A_100 = vector.shape_cast %swap3A_99 : vector<16xf32> to vector<16xf32>
    %swap3A_101 = vector.shape_cast %scan3A_69#5 : vector<16xf32> to vector<16xf32>
    tpu.vector_store %swap3A_97[%swap3A_98], %swap3A_101 {strides = array<i32>} : memref<128xf32, #tpu.memory_space<vmem>>, vector<16xf32>,
    %swap3A_102 = arith.constant 0 : i32
    %swap3A_103 = arith.constant 0 : i32
    %swap3A_104 = tpu.memref_slice %arg10[%swap3A_102, %swap3A_103] : memref<1x128xf32, #tpu.memory_space<vmem>> -> memref<1x128xf32, #tpu.memory_space<vmem>>
    %swap3A_105 = tpu.memref_squeeze %swap3A_104 : memref<1x128xf32, #tpu.memory_space<vmem>> -> memref<128xf32, #tpu.memory_space<vmem>>
    %swap3A_106 = arith.constant 64 : index
    %swap3A_107 = tpu.vector_load %swap3A_105[%swap3A_106] {strides = array<i32>} : memref<128xf32, #tpu.memory_space<vmem>>, vector<16xf32>,
    %swap3A_108 = vector.shape_cast %swap3A_107 : vector<16xf32> to vector<16xf32>
    %swap3A_109 = vector.shape_cast %scan3A_69#6 : vector<16xf32> to vector<16xf32>
    tpu.vector_store %swap3A_105[%swap3A_106], %swap3A_109 {strides = array<i32>} : memref<128xf32, #tpu.memory_space<vmem>>, vector<16xf32>,
    %swap3A_110 = arith.constant 0 : i32
    %swap3A_111 = arith.constant 0 : i32
    %swap3A_112 = tpu.memref_slice %arg10[%swap3A_110, %swap3A_111] : memref<1x128xf32, #tpu.memory_space<vmem>> -> memref<1x128xf32, #tpu.memory_space<vmem>>
    %swap3A_113 = tpu.memref_squeeze %swap3A_112 : memref<1x128xf32, #tpu.memory_space<vmem>> -> memref<128xf32, #tpu.memory_space<vmem>>
    %swap3A_114 = arith.constant 80 : index
    %swap3A_115 = tpu.vector_load %swap3A_113[%swap3A_114] {strides = array<i32>} : memref<128xf32, #tpu.memory_space<vmem>>, vector<16xf32>,
    %swap3A_116 = vector.shape_cast %swap3A_115 : vector<16xf32> to vector<16xf32>
    %swap3A_117 = vector.shape_cast %scan3A_69#7 : vector<16xf32> to vector<16xf32>
    tpu.vector_store %swap3A_113[%swap3A_114], %swap3A_117 {strides = array<i32>} : memref<128xf32, #tpu.memory_space<vmem>>, vector<16xf32>,
    %swap3A_118 = arith.constant 0 : i32
    %swap3A_119 = arith.constant 0 : i32
    %swap3A_120 = tpu.memref_slice %arg10[%swap3A_118, %swap3A_119] : memref<1x128xf32, #tpu.memory_space<vmem>> -> memref<1x128xf32, #tpu.memory_space<vmem>>
    %swap3A_121 = tpu.memref_squeeze %swap3A_120 : memref<1x128xf32, #tpu.memory_space<vmem>> -> memref<128xf32, #tpu.memory_space<vmem>>
    %swap3A_122 = arith.constant 96 : index
    %swap3A_123 = tpu.vector_load %swap3A_121[%swap3A_122] {strides = array<i32>} : memref<128xf32, #tpu.memory_space<vmem>>, vector<16xf32>,
    %swap3A_124 = vector.shape_cast %swap3A_123 : vector<16xf32> to vector<16xf32>
    %swap3A_125 = vector.shape_cast %scan3A_69#8 : vector<16xf32> to vector<16xf32>
    tpu.vector_store %swap3A_121[%swap3A_122], %swap3A_125 {strides = array<i32>} : memref<128xf32, #tpu.memory_space<vmem>>, vector<16xf32>,
    %swap3A_126 = arith.constant 0 : i32
    %swap3A_127 = arith.constant 0 : i32
    %swap3A_128 = tpu.memref_slice %arg10[%swap3A_126, %swap3A_127] : memref<1x128xf32, #tpu.memory_space<vmem>> -> memref<1x128xf32, #tpu.memory_space<vmem>>
    %swap3A_129 = tpu.memref_squeeze %swap3A_128 : memref<1x128xf32, #tpu.memory_space<vmem>> -> memref<128xf32, #tpu.memory_space<vmem>>
    %swap3A_130 = arith.constant 112 : index
    %swap3A_131 = tpu.vector_load %swap3A_129[%swap3A_130] {strides = array<i32>} : memref<128xf32, #tpu.memory_space<vmem>>, vector<16xf32>,
    %swap3A_132 = vector.shape_cast %swap3A_131 : vector<16xf32> to vector<16xf32>
    %swap3A_133 = vector.shape_cast %scan3A_69#9 : vector<16xf32> to vector<16xf32>
    tpu.vector_store %swap3A_129[%swap3A_130], %swap3A_133 {strides = array<i32>} : memref<128xf32, #tpu.memory_space<vmem>>, vector<16xf32>,
    %eq3A_134 = arith.constant 0 : i32
    %eq3A_135 = arith.cmpi eq, %scan3A_69#1, %eq3A_134 : i32
    %convert_element_type3A = arith.extui %eq3A_135 : i1 to i32
    %cond3A = arith.constant 0 : i32
    %cond3A_136 = arith.cmpi ne, %convert_element_type3A, %cond3A : i32
    scf.if %cond3A_136 {
      %mul3A_152 = arith.constant 2 : i32
      %mul3A_153 = arith.muli %mul3A_152, %arg1 : i32
      %add3A_154 = arith.constant 10000 : i32
      %add3A_155 = arith.addi %add3A_154, %mul3A_153 : i32
      "tpu.region"() ({
        %run_scoped3A = tpu.sem_alloc : memref<!tpu.dma_semaphore, #tpu.memory_space<semaphore_mem>>
        %dma_start3A_228 = arith.constant 0 : i32
        %dma_start3A_229 = tpu.memref_slice %arg15[%add3A_155, %dma_start3A_228] : memref<10032x128xf32, #tpu.memory_space<vmem_shared>> -> memref<1x128xf32, #tpu.memory_space<vmem_shared>>
        %dma_start3A_230 = arith.constant 0 : i32
        %dma_start3A_231 = tpu.memref_slice %arg15[%add3A_155, %dma_start3A_230] : memref<10032x128xf32, #tpu.memory_space<vmem_shared>> -> memref<1x128xf32, #tpu.memory_space<vmem_shared>>
        tpu.enqueue_dma source(%arg10 : memref<1x128xf32, #tpu.memory_space<vmem>>) target(%dma_start3A_231 : memref<1x128xf32, #tpu.memory_space<vmem_shared>>) target_semaphore(%run_scoped3A : memref<!tpu.dma_semaphore, #tpu.memory_space<semaphore_mem>>)
        %dma_wait3A = arith.constant 0 : i32
        %dma_wait3A_232 = tpu.memref_slice %arg15[%add3A_155, %dma_wait3A] : memref<10032x128xf32, #tpu.memory_space<vmem_shared>> -> memref<1x128xf32, #tpu.memory_space<vmem_shared>>
        %dma_wait3A_233 = arith.constant 0 : i32
        %dma_wait3A_234 = tpu.memref_slice %arg15[%add3A_155, %dma_wait3A_233] : memref<10032x128xf32, #tpu.memory_space<vmem_shared>> -> memref<1x128xf32, #tpu.memory_space<vmem_shared>>
        tpu.wait_dma2 semaphore(%run_scoped3A : memref<!tpu.dma_semaphore, #tpu.memory_space<semaphore_mem>>) src(%arg10 : memref<1x128xf32, #tpu.memory_space<vmem>>) dst(%dma_wait3A_234 : memref<1x128xf32, #tpu.memory_space<vmem_shared>>)
        tpu.yield
      }) : () -> ()
      %broadcast_in_dim3A_156 = vector.broadcast %scan3A_69#0 : i32 to vector<16xi32>
      %convert_element_type3A_157 = arith.sitofp %broadcast_in_dim3A_156 : vector<16xi32> to vector<16xf32>
      %swap3A_158 = arith.constant 0 : i32
      %swap3A_159 = arith.constant 0 : i32
      %swap3A_160 = tpu.memref_slice %arg11[%swap3A_158, %swap3A_159] : memref<1x128xf32, #tpu.memory_space<vmem>> -> memref<1x128xf32, #tpu.memory_space<vmem>>
      %swap3A_161 = tpu.memref_squeeze %swap3A_160 : memref<1x128xf32, #tpu.memory_space<vmem>> -> memref<128xf32, #tpu.memory_space<vmem>>
      %swap3A_162 = arith.constant 0 : index
      %swap3A_163 = tpu.vector_load %swap3A_161[%swap3A_162] {strides = array<i32>} : memref<128xf32, #tpu.memory_space<vmem>>, vector<16xf32>,
      %swap3A_164 = vector.shape_cast %swap3A_163 : vector<16xf32> to vector<16xf32>
      %swap3A_165 = vector.shape_cast %convert_element_type3A_157 : vector<16xf32> to vector<16xf32>
      tpu.vector_store %swap3A_161[%swap3A_162], %swap3A_165 {strides = array<i32>} : memref<128xf32, #tpu.memory_space<vmem>>, vector<16xf32>,
      %swap3A_166 = arith.constant 0 : i32
      %swap3A_167 = arith.constant 0 : i32
      %swap3A_168 = tpu.memref_slice %arg11[%swap3A_166, %swap3A_167] : memref<1x128xf32, #tpu.memory_space<vmem>> -> memref<1x128xf32, #tpu.memory_space<vmem>>
      %swap3A_169 = tpu.memref_squeeze %swap3A_168 : memref<1x128xf32, #tpu.memory_space<vmem>> -> memref<128xf32, #tpu.memory_space<vmem>>
      %swap3A_170 = arith.constant 16 : index
      %swap3A_171 = tpu.vector_load %swap3A_169[%swap3A_170] {strides = array<i32>} : memref<128xf32, #tpu.memory_space<vmem>>, vector<16xf32>,
      %swap3A_172 = vector.shape_cast %swap3A_171 : vector<16xf32> to vector<16xf32>
      %swap3A_173 = vector.shape_cast %convert_element_type3A_157 : vector<16xf32> to vector<16xf32>
      tpu.vector_store %swap3A_169[%swap3A_170], %swap3A_173 {strides = array<i32>} : memref<128xf32, #tpu.memory_space<vmem>>, vector<16xf32>,
      %swap3A_174 = arith.constant 0 : i32
      %swap3A_175 = arith.constant 0 : i32
      %swap3A_176 = tpu.memref_slice %arg11[%swap3A_174, %swap3A_175] : memref<1x128xf32, #tpu.memory_space<vmem>> -> memref<1x128xf32, #tpu.memory_space<vmem>>
      %swap3A_177 = tpu.memref_squeeze %swap3A_176 : memref<1x128xf32, #tpu.memory_space<vmem>> -> memref<128xf32, #tpu.memory_space<vmem>>
      %swap3A_178 = arith.constant 32 : index
      %swap3A_179 = tpu.vector_load %swap3A_177[%swap3A_178] {strides = array<i32>} : memref<128xf32, #tpu.memory_space<vmem>>, vector<16xf32>,
      %swap3A_180 = vector.shape_cast %swap3A_179 : vector<16xf32> to vector<16xf32>
      %swap3A_181 = vector.shape_cast %convert_element_type3A_157 : vector<16xf32> to vector<16xf32>
      tpu.vector_store %swap3A_177[%swap3A_178], %swap3A_181 {strides = array<i32>} : memref<128xf32, #tpu.memory_space<vmem>>, vector<16xf32>,
      %swap3A_182 = arith.constant 0 : i32
      %swap3A_183 = arith.constant 0 : i32
      %swap3A_184 = tpu.memref_slice %arg11[%swap3A_182, %swap3A_183] : memref<1x128xf32, #tpu.memory_space<vmem>> -> memref<1x128xf32, #tpu.memory_space<vmem>>
      %swap3A_185 = tpu.memref_squeeze %swap3A_184 : memref<1x128xf32, #tpu.memory_space<vmem>> -> memref<128xf32, #tpu.memory_space<vmem>>
      %swap3A_186 = arith.constant 48 : index
      %swap3A_187 = tpu.vector_load %swap3A_185[%swap3A_186] {strides = array<i32>} : memref<128xf32, #tpu.memory_space<vmem>>, vector<16xf32>,
      %swap3A_188 = vector.shape_cast %swap3A_187 : vector<16xf32> to vector<16xf32>
      %swap3A_189 = vector.shape_cast %convert_element_type3A_157 : vector<16xf32> to vector<16xf32>
      tpu.vector_store %swap3A_185[%swap3A_186], %swap3A_189 {strides = array<i32>} : memref<128xf32, #tpu.memory_space<vmem>>, vector<16xf32>,
      %swap3A_190 = arith.constant 0 : i32
      %swap3A_191 = arith.constant 0 : i32
      %swap3A_192 = tpu.memref_slice %arg11[%swap3A_190, %swap3A_191] : memref<1x128xf32, #tpu.memory_space<vmem>> -> memref<1x128xf32, #tpu.memory_space<vmem>>
      %swap3A_193 = tpu.memref_squeeze %swap3A_192 : memref<1x128xf32, #tpu.memory_space<vmem>> -> memref<128xf32, #tpu.memory_space<vmem>>
      %swap3A_194 = arith.constant 64 : index
      %swap3A_195 = tpu.vector_load %swap3A_193[%swap3A_194] {strides = array<i32>} : memref<128xf32, #tpu.memory_space<vmem>>, vector<16xf32>,
      %swap3A_196 = vector.shape_cast %swap3A_195 : vector<16xf32> to vector<16xf32>
      %swap3A_197 = vector.shape_cast %convert_element_type3A_157 : vector<16xf32> to vector<16xf32>
      tpu.vector_store %swap3A_193[%swap3A_194], %swap3A_197 {strides = array<i32>} : memref<128xf32, #tpu.memory_space<vmem>>, vector<16xf32>,
      %swap3A_198 = arith.constant 0 : i32
      %swap3A_199 = arith.constant 0 : i32
      %swap3A_200 = tpu.memref_slice %arg11[%swap3A_198, %swap3A_199] : memref<1x128xf32, #tpu.memory_space<vmem>> -> memref<1x128xf32, #tpu.memory_space<vmem>>
      %swap3A_201 = tpu.memref_squeeze %swap3A_200 : memref<1x128xf32, #tpu.memory_space<vmem>> -> memref<128xf32, #tpu.memory_space<vmem>>
      %swap3A_202 = arith.constant 80 : index
      %swap3A_203 = tpu.vector_load %swap3A_201[%swap3A_202] {strides = array<i32>} : memref<128xf32, #tpu.memory_space<vmem>>, vector<16xf32>,
      %swap3A_204 = vector.shape_cast %swap3A_203 : vector<16xf32> to vector<16xf32>
      %swap3A_205 = vector.shape_cast %convert_element_type3A_157 : vector<16xf32> to vector<16xf32>
      tpu.vector_store %swap3A_201[%swap3A_202], %swap3A_205 {strides = array<i32>} : memref<128xf32, #tpu.memory_space<vmem>>, vector<16xf32>,
      %swap3A_206 = arith.constant 0 : i32
      %swap3A_207 = arith.constant 0 : i32
      %swap3A_208 = tpu.memref_slice %arg11[%swap3A_206, %swap3A_207] : memref<1x128xf32, #tpu.memory_space<vmem>> -> memref<1x128xf32, #tpu.memory_space<vmem>>
      %swap3A_209 = tpu.memref_squeeze %swap3A_208 : memref<1x128xf32, #tpu.memory_space<vmem>> -> memref<128xf32, #tpu.memory_space<vmem>>
      %swap3A_210 = arith.constant 96 : index
      %swap3A_211 = tpu.vector_load %swap3A_209[%swap3A_210] {strides = array<i32>} : memref<128xf32, #tpu.memory_space<vmem>>, vector<16xf32>,
      %swap3A_212 = vector.shape_cast %swap3A_211 : vector<16xf32> to vector<16xf32>
      %swap3A_213 = vector.shape_cast %convert_element_type3A_157 : vector<16xf32> to vector<16xf32>
      tpu.vector_store %swap3A_209[%swap3A_210], %swap3A_213 {strides = array<i32>} : memref<128xf32, #tpu.memory_space<vmem>>, vector<16xf32>,
      %swap3A_214 = arith.constant 0 : i32
      %swap3A_215 = arith.constant 0 : i32
      %swap3A_216 = tpu.memref_slice %arg11[%swap3A_214, %swap3A_215] : memref<1x128xf32, #tpu.memory_space<vmem>> -> memref<1x128xf32, #tpu.memory_space<vmem>>
      %swap3A_217 = tpu.memref_squeeze %swap3A_216 : memref<1x128xf32, #tpu.memory_space<vmem>> -> memref<128xf32, #tpu.memory_space<vmem>>
      %swap3A_218 = arith.constant 112 : index
      %swap3A_219 = tpu.vector_load %swap3A_217[%swap3A_218] {strides = array<i32>} : memref<128xf32, #tpu.memory_space<vmem>>, vector<16xf32>,
      %swap3A_220 = vector.shape_cast %swap3A_219 : vector<16xf32> to vector<16xf32>
      %swap3A_221 = vector.shape_cast %convert_element_type3A_157 : vector<16xf32> to vector<16xf32>
      tpu.vector_store %swap3A_217[%swap3A_218], %swap3A_221 {strides = array<i32>} : memref<128xf32, #tpu.memory_space<vmem>>, vector<16xf32>,
      %mul3A_222 = arith.constant 2 : i32
      %mul3A_223 = arith.muli %mul3A_222, %arg1 : i32
      %add3A_224 = arith.constant 10000 : i32
      %add3A_225 = arith.addi %add3A_224, %mul3A_223 : i32
      %add3A_226 = arith.constant 1 : i32
      %add3A_227 = arith.addi %add3A_225, %add3A_226 : i32
      "tpu.region"() ({
        %run_scoped3A = tpu.sem_alloc : memref<!tpu.dma_semaphore, #tpu.memory_space<semaphore_mem>>
        %dma_start3A_228 = arith.constant 0 : i32
        %dma_start3A_229 = tpu.memref_slice %arg15[%add3A_227, %dma_start3A_228] : memref<10032x128xf32, #tpu.memory_space<vmem_shared>> -> memref<1x128xf32, #tpu.memory_space<vmem_shared>>
        %dma_start3A_230 = arith.constant 0 : i32
        %dma_start3A_231 = tpu.memref_slice %arg15[%add3A_227, %dma_start3A_230] : memref<10032x128xf32, #tpu.memory_space<vmem_shared>> -> memref<1x128xf32, #tpu.memory_space<vmem_shared>>
        tpu.enqueue_dma source(%arg11 : memref<1x128xf32, #tpu.memory_space<vmem>>) target(%dma_start3A_231 : memref<1x128xf32, #tpu.memory_space<vmem_shared>>) target_semaphore(%run_scoped3A : memref<!tpu.dma_semaphore, #tpu.memory_space<semaphore_mem>>)
        %dma_wait3A = arith.constant 0 : i32
        %dma_wait3A_232 = tpu.memref_slice %arg15[%add3A_227, %dma_wait3A] : memref<10032x128xf32, #tpu.memory_space<vmem_shared>> -> memref<1x128xf32, #tpu.memory_space<vmem_shared>>
        %dma_wait3A_233 = arith.constant 0 : i32
        %dma_wait3A_234 = tpu.memref_slice %arg15[%add3A_227, %dma_wait3A_233] : memref<10032x128xf32, #tpu.memory_space<vmem_shared>> -> memref<1x128xf32, #tpu.memory_space<vmem_shared>>
        tpu.wait_dma2 semaphore(%run_scoped3A : memref<!tpu.dma_semaphore, #tpu.memory_space<semaphore_mem>>) src(%arg11 : memref<1x128xf32, #tpu.memory_space<vmem>>) dst(%dma_wait3A_234 : memref<1x128xf32, #tpu.memory_space<vmem_shared>>)
        tpu.yield
      }) : () -> ()
    } else {
    }
    %eq3A_137 = arith.constant 1 : i32
    %eq3A_138 = arith.cmpi eq, %scan3A_69#1, %eq3A_137 : i32
    %convert_element_type3A_139 = arith.extui %eq3A_138 : i1 to i32
    %cond3A_140 = arith.constant 0 : i32
    %cond3A_141 = arith.cmpi ne, %convert_element_type3A_139, %cond3A_140 : i32
    scf.if %cond3A_141 {
      "tpu.region"() ({
        %run_scoped3A = tpu.sem_alloc : memref<!tpu.dma_semaphore, #tpu.memory_space<semaphore_mem>>
        %dma_start3A_152 = arith.constant 0 : i32
        %dma_start3A_153 = tpu.memref_slice %arg15[%scan3A_69#0, %dma_start3A_152] : memref<10032x128xf32, #tpu.memory_space<vmem_shared>> -> memref<1x128xf32, #tpu.memory_space<vmem_shared>>
        %dma_start3A_154 = arith.constant 0 : i32
        %dma_start3A_155 = tpu.memref_slice %arg15[%scan3A_69#0, %dma_start3A_154] : memref<10032x128xf32, #tpu.memory_space<vmem_shared>> -> memref<1x128xf32, #tpu.memory_space<vmem_shared>>
        tpu.enqueue_dma source(%arg10 : memref<1x128xf32, #tpu.memory_space<vmem>>) target(%dma_start3A_155 : memref<1x128xf32, #tpu.memory_space<vmem_shared>>) target_semaphore(%run_scoped3A : memref<!tpu.dma_semaphore, #tpu.memory_space<semaphore_mem>>)
        %dma_wait3A = arith.constant 0 : i32
        %dma_wait3A_156 = tpu.memref_slice %arg15[%scan3A_69#0, %dma_wait3A] : memref<10032x128xf32, #tpu.memory_space<vmem_shared>> -> memref<1x128xf32, #tpu.memory_space<vmem_shared>>
        %dma_wait3A_157 = arith.constant 0 : i32
        %dma_wait3A_158 = tpu.memref_slice %arg15[%scan3A_69#0, %dma_wait3A_157] : memref<10032x128xf32, #tpu.memory_space<vmem_shared>> -> memref<1x128xf32, #tpu.memory_space<vmem_shared>>
        tpu.wait_dma2 semaphore(%run_scoped3A : memref<!tpu.dma_semaphore, #tpu.memory_space<semaphore_mem>>) src(%arg10 : memref<1x128xf32, #tpu.memory_space<vmem>>) dst(%dma_wait3A_158 : memref<1x128xf32, #tpu.memory_space<vmem_shared>>)
        tpu.yield
      }) : () -> ()
    } else {
    }
    %barrier3A_142 = arith.constant 0 : index
    tpu.barrier barrier_id(%barrier3A_142)
    %lt3A = arith.constant 15 : i32
    %lt3A_143 = arith.cmpi slt, %arg1, %lt3A : i32
    %convert_element_type3A_144 = arith.extui %lt3A_143 : i1 to i32
    %cond3A_145 = arith.constant 0 : i32
    %cond3A_146 = arith.cmpi ne, %convert_element_type3A_144, %cond3A_145 : i32
    scf.if %cond3A_146 {
      "tpu.region"() ({
        %run_scoped3A = tpu.sem_alloc : memref<!tpu.dma_semaphore, #tpu.memory_space<semaphore_mem>>
        %dma_start3A_152 = arith.constant 0 : i32
        %dma_start3A_153 = tpu.memref_slice %arg6[%arg0, %mul3A_4, %dma_start3A_152] : memref<2x10032x128xf32, #tpu.memory_space<hbm>> -> memref<1x624x128xf32, #tpu.memory_space<hbm>>
        %dma_start3A_154 = tpu.memref_squeeze %dma_start3A_153 : memref<1x624x128xf32, #tpu.memory_space<hbm>> -> memref<624x128xf32, #tpu.memory_space<hbm>>
        %dma_start3A_155 = arith.constant 0 : i32
        %dma_start3A_156 = tpu.memref_slice %arg15[%mul3A_4, %dma_start3A_155] : memref<10032x128xf32, #tpu.memory_space<vmem_shared>> -> memref<624x128xf32, #tpu.memory_space<vmem_shared>>
        tpu.enqueue_dma source(%dma_start3A_156 : memref<624x128xf32, #tpu.memory_space<vmem_shared>>) target(%dma_start3A_154 : memref<624x128xf32, #tpu.memory_space<hbm>>) target_semaphore(%run_scoped3A : memref<!tpu.dma_semaphore, #tpu.memory_space<semaphore_mem>>)
        %dma_wait3A = arith.constant 0 : i32
        %dma_wait3A_157 = tpu.memref_slice %arg6[%arg0, %mul3A_4, %dma_wait3A] : memref<2x10032x128xf32, #tpu.memory_space<hbm>> -> memref<1x624x128xf32, #tpu.memory_space<hbm>>
        %dma_wait3A_158 = tpu.memref_squeeze %dma_wait3A_157 : memref<1x624x128xf32, #tpu.memory_space<hbm>> -> memref<624x128xf32, #tpu.memory_space<hbm>>
        %dma_wait3A_159 = arith.constant 0 : i32
        %dma_wait3A_160 = tpu.memref_slice %arg15[%mul3A_4, %dma_wait3A_159] : memref<10032x128xf32, #tpu.memory_space<vmem_shared>> -> memref<624x128xf32, #tpu.memory_space<vmem_shared>>
        tpu.wait_dma2 semaphore(%run_scoped3A : memref<!tpu.dma_semaphore, #tpu.memory_space<semaphore_mem>>) src(%dma_wait3A_160 : memref<624x128xf32, #tpu.memory_space<vmem_shared>>) dst(%dma_wait3A_158 : memref<624x128xf32, #tpu.memory_space<hbm>>)
        tpu.yield
      }) : () -> ()
    } else {
    }
    %eq3A_147 = arith.constant 15 : i32
    %eq3A_148 = arith.cmpi eq, %arg1, %eq3A_147 : i32
    %convert_element_type3A_149 = arith.extui %eq3A_148 : i1 to i32
    %cond3A_150 = arith.constant 0 : i32
    %cond3A_151 = arith.cmpi ne, %convert_element_type3A_149, %cond3A_150 : i32
    scf.if %cond3A_151 {
      "tpu.region"() ({
        %run_scoped3A = tpu.sem_alloc : memref<!tpu.dma_semaphore, #tpu.memory_space<semaphore_mem>>
        %dma_start3A_152 = arith.constant 9360 : i32
        %dma_start3A_153 = arith.constant 0 : i32
        %dma_start3A_154 = tpu.memref_slice %arg6[%arg0, %dma_start3A_152, %dma_start3A_153] : memref<2x10032x128xf32, #tpu.memory_space<hbm>> -> memref<1x672x128xf32, #tpu.memory_space<hbm>>
        %dma_start3A_155 = tpu.memref_squeeze %dma_start3A_154 : memref<1x672x128xf32, #tpu.memory_space<hbm>> -> memref<672x128xf32, #tpu.memory_space<hbm>>
        %dma_start3A_156 = arith.constant 9360 : i32
        %dma_start3A_157 = arith.constant 0 : i32
        %dma_start3A_158 = tpu.memref_slice %arg15[%dma_start3A_156, %dma_start3A_157] : memref<10032x128xf32, #tpu.memory_space<vmem_shared>> -> memref<672x128xf32, #tpu.memory_space<vmem_shared>>
        tpu.enqueue_dma source(%dma_start3A_158 : memref<672x128xf32, #tpu.memory_space<vmem_shared>>) target(%dma_start3A_155 : memref<672x128xf32, #tpu.memory_space<hbm>>) target_semaphore(%run_scoped3A : memref<!tpu.dma_semaphore, #tpu.memory_space<semaphore_mem>>)
        %dma_wait3A = arith.constant 9360 : i32
        %dma_wait3A_159 = arith.constant 0 : i32
        %dma_wait3A_160 = tpu.memref_slice %arg6[%arg0, %dma_wait3A, %dma_wait3A_159] : memref<2x10032x128xf32, #tpu.memory_space<hbm>> -> memref<1x672x128xf32, #tpu.memory_space<hbm>>
        %dma_wait3A_161 = tpu.memref_squeeze %dma_wait3A_160 : memref<1x672x128xf32, #tpu.memory_space<hbm>> -> memref<672x128xf32, #tpu.memory_space<hbm>>
        %dma_wait3A_162 = arith.constant 9360 : i32
        %dma_wait3A_163 = arith.constant 0 : i32
        %dma_wait3A_164 = tpu.memref_slice %arg15[%dma_wait3A_162, %dma_wait3A_163] : memref<10032x128xf32, #tpu.memory_space<vmem_shared>> -> memref<672x128xf32, #tpu.memory_space<vmem_shared>>
        tpu.wait_dma2 semaphore(%run_scoped3A : memref<!tpu.dma_semaphore, #tpu.memory_space<semaphore_mem>>) src(%dma_wait3A_164 : memref<672x128xf32, #tpu.memory_space<vmem_shared>>) dst(%dma_wait3A_161 : memref<672x128xf32, #tpu.memory_space<hbm>>)
        tpu.yield
      }) : () -> ()
    } else {
    }
    return
  }
}

</mosaic_0001>

<sc_bundles>
// kernel: _sc_edges.3.cloned.1.call-start
scs
__scs_entry_jumppad:
0x0: {  	(pc) =	sbr.rel $0x88, $3  }
0x1: {  	(tag) =	ssettag $0x0;
	lr =	simm.s32 $0x1  }
0x2: {  	[smem:$0x3F9D] =	sst lr;
	_ =	strace $0xD0000000  }
0x3: {  	_ = 	snop  }
0x4: {  	_ = 	snop  }
0x5: {  	_ = 	snop  }
0x6: {  	_ = 	snop  }
0x7: {  	_ = 	snop  }
__scs_overlays_trampoline_lowered:
0x8: {  	[smem:$0x3FAC] =	sst s0  }
0x9: {  	[smem:$0x3FAD] =	sst s1  }
0xa: {  	[smem:$0x3FAE] =	sst s2  }
0xb: {  	[smem:$0x3FAF] =	sst s3  }
0xc: {  	[smem:$0x3FB0] =	sst s4  }
0xd: {  	[smem:$0x3FB1] =	sst s5  }
0xe: {  	[smem:$0x3FB2] =	sst s6  }
0xf: {  	[smem:$0x3FB3] =	sst s7  }
0x10: {  	[smem:$0x3FB4] =	sst s8  }
0x11: {  	[smem:$0x3FB5] =	sst s9;
	s0 =	simm.s32 @!p0 $0x0  }
0x12: {  	s1 =	sld [smem:$0x3F9B];
	s0 =	simm.s32 @p0 $0x1  }
0x13: {  	[smem:$0x3FB6] =	sst s0;
	s0 =	simm.s32 @!p1 $0x0  }
0x14: {  	s2 =	sld [smem:$0x3F9A];
	s0 =	simm.s32 @p1 $0x1  }
0x15: {  	[smem:$0x3FB7] =	sst s0;
	s0 =	simm.s32 @!p2 $0x0  }
0x16: {  	s3 =	sld [smem:$0x3FDB];
	s0 =	simm.s32 @p2 $0x1  }
0x17: {  	s4 =	simm.s32 $0x1BF5;
	[smem:$0x3FB9] =	sst s0  }
0x18: {  	s0 =	sld [smem:$0x3F9C];
	_ =	swait.ge [sflag:s4], $0x0  }
0x19: {  	s7 =	sld [smem:$0x3F9D]  }
0x1a: {  	s8 =	sadd.s32 $0xFFFFE003, lr  }
0x1b: {  	s9 =	sadd.s32 $0xFFFFFEF7, lr;
	s5 =	simm.s32 $0xFFFFFFFF;
	p2 =	slt.u32 s8, $0xFFFFF086  }
0x1c: {  	p1 =	slt.u32 s9, $0xF7A;
	s5 =	simm.s32 @!p2 $0x0  }
0x1d: {  	s5 =	simm.s32 @p1 $0x1;
	p0 =	seq.s32 s7, s2  }
0x1e: {  	s7 =	smul.u32 @!p0 $0xF7A, s2;
	p2 =	seq.s32 @!p0 s5, $0x0  }
0x1f: {  	s9 =	smul.u32 $0xF7A, s1;
	s8 =	simm.s32 @!p0 $0x1BF5;
	p2 =	por !p2, p0  }
0x20: {  	[sflag:s8] =	ssyncset.s32 @!p0 $0xFFFFF086;
	s6 =	sadd.s32 @!p0 s3, s7;
	s7 =	simm.s32 @!p0 $0x108  }
0x21: {  	s3 =	sadd.s32 s3, s9;
	s6 =	sadd.s32 @!p0 $0x88, s6;
	s7 =	simm.s32 @p2 $0x1082  }
0x22: {  	[simem:s7], [sflag:s8] =	dma.local @!p0 [hbm:s6], $0xF7A  }
0x23: {  	s9 =	sor.u32 $0xD0000000, s2;
	s6 =	simm.s32 $0x108;
	_ =	swait.ge @!p0 [sflag:s8], $0x0  }
0x24: {  	s3 =	sadd.s32 $0x88, s3;
	s6 =	simm.s32 @!p1 $0x1082;
	[sflag:s4] =	ssyncset.s32 $0xFFFFF086  }
0x25: {  	[simem:s6], [sflag:s4] =	dma.local [hbm:s3], $0xF7A  }
0x26: {  	[smem:$0x3F9D] =	sst s1;
	(tag) =	ssettag s2;
	_ =	strace s9  }
0x27: {  	s1 =	sld [smem:$0x3FAD]  }
0x28: {  	s2 =	sld [smem:$0x3FAE]  }
0x29: {  	s4 =	sld [smem:$0x3FB0]  }
0x2a: {  	p0 =	seq.s32 s5, $0x0;
	s5 =	sld [smem:$0x3FB1]  }
0x2b: {  	s6 =	sld [smem:$0x3FB2]  }
0x2c: {  	s7 =	sld [smem:$0x3FB3]  }
0x2d: {  	s3 =	simm.s32 $0x108;
	s8 =	sld [smem:$0x3FB4]  }
0x2e: {  	s3 =	simm.s32 @!p0 $0x1082;
	s9 =	sld [smem:$0x3FB5]  }
0x2f: {  	lr =	sadd.s32 s0, s3;
	s0 =	sld [smem:$0x3FAC]  }
0x30: {  	s3 =	sld [smem:$0x3FAF]  }
0x31: {  	[smem:$0x3FB8] =	sst s10  }
0x32: {  	s10 =	sld [smem:$0x3FB6];
	_ =	sdelay $0x3  }
0x33: {  	p0 =	seq.s32 s10, $0x1;
	s10 =	sld [smem:$0x3FB8];
	_ =	sdelay $0x3  }
0x34: {  	[smem:$0x3FB8] =	sst s10  }
0x35: {  	s10 =	sld [smem:$0x3FB7];
	_ =	sdelay $0x3  }
0x36: {  	p1 =	seq.s32 s10, $0x1;
	s10 =	sld [smem:$0x3FB8];
	_ =	sdelay $0x3  }
0x37: {  	[smem:$0x3FB8] =	sst s10  }
0x38: {  	s10 =	sld [smem:$0x3FB9]  }
0x39: {  	_ = 	snop;
	(pc) =	sbr.ind lr, $3  }
0x3a: {  	_ = 	snop  }
0x3b: {  	_ = 	snop  }
0x3c: {  	p2 =	seq.s32 s10, $0x1;
	s10 =	sld [smem:$0x3FB8]  }
0x3d: {  	_ =	shalt  }
0x3e: {  	_ =	shalt  }
0x3f: {  	_ =	shalt  }
0x40: {  	_ =	shalt  }
0x41: {  	_ =	shalt  }
0x42: {  	_ =	shalt  }
0x43: {  	_ =	shalt  }
0x44: {  	_ =	shalt  }
0x45: {  	_ =	shalt  }
0x46: {  	_ =	shalt  }
0x47: {  	_ =	shalt  }
0x48: {  	_ =	shalt  }
0x49: {  	_ =	shalt  }
0x4a: {  	_ =	shalt  }
0x4b: {  	_ =	shalt  }
0x4c: {  	_ =	shalt  }
0x4d: {  	_ =	shalt  }
0x4e: {  	_ =	shalt  }
0x4f: {  	_ =	shalt  }
0x50: {  	_ =	shalt  }
0x51: {  	_ =	shalt  }
0x52: {  	_ =	shalt  }
0x53: {  	_ =	shalt  }
0x54: {  	_ =	shalt  }
0x55: {  	_ =	shalt  }
0x56: {  	_ =	shalt  }
0x57: {  	_ =	shalt  }
0x58: {  	_ =	shalt  }
0x59: {  	_ =	shalt  }
0x5a: {  	_ =	shalt  }
0x5b: {  	_ =	shalt  }
0x5c: {  	_ =	shalt  }
0x5d: {  	_ =	shalt  }
0x5e: {  	_ =	shalt  }
0x5f: {  	_ =	shalt  }
0x60: {  	_ =	shalt  }
0x61: {  	_ =	shalt  }
0x62: {  	_ =	shalt  }
0x63: {  	_ =	shalt  }
0x64: {  	_ =	shalt  }
0x65: {  	_ =	shalt  }
0x66: {  	_ =	shalt  }
0x67: {  	_ =	shalt  }
0x68: {  	_ =	shalt  }
0x69: {  	_ =	shalt  }
0x6a: {  	_ =	shalt  }
0x6b: {  	_ =	shalt  }
0x6c: {  	_ =	shalt  }
0x6d: {  	_ =	shalt  }
0x6e: {  	_ =	shalt  }
0x6f: {  	_ =	shalt  }
0x70: {  	_ =	shalt  }
0x71: {  	_ =	shalt  }
0x72: {  	_ =	shalt  }
0x73: {  	_ =	shalt  }
0x74: {  	_ =	shalt  }
0x75: {  	_ =	shalt  }
0x76: {  	_ =	shalt  }
0x77: {  	_ =	shalt  }
0x78: {  	_ =	shalt  }
0x79: {  	_ =	shalt  }
0x7a: {  	_ =	shalt  }
0x7b: {  	_ =	shalt  }
0x7c: {  	_ =	shalt  }
0x7d: {  	_ =	shalt  }
0x7e: {  	_ =	shalt  }
0x7f: {  	_ =	shalt  }
0x80: {  	_ =	shalt  }
0x81: {  	_ =	shalt  }
0x82: {  	_ =	shalt  }
0x83: {  	_ =	shalt  }
0x84: {  	_ =	shalt  }
0x85: {  	_ =	shalt  }
0x86: {  	_ =	shalt  }
0x87: {  	_ =	shalt  }
.Lfunc_end0:
.L_simem_size_0:
called_computation_lowered:
.L_overlay_start_0:
0x88: {  	s2 =	sld [smem:$0x3FD9]  }
0x89: {  	s3 =	sld [smem:$0x3FFE];
	_ =	sdelay $0x1  }
0x8a: {  	s1 =	srdreg.scid  }
0x8b: {  	s0 =	sand.u32 $0x1, s1  }
0x8c: {  	s18 =	sshll.u32 s0, $0xA;
	s2 =	sadd.s32 s3, s2  }
0x8d: {  	s2 =	sadd.s32 s2, s18  }
0x8e: {  	[smem:$0x3FC4] =	sst s2  }
0x8f: {  	_ = 	snop  }
0x90: {  	s2 =	sld [smem:$0x3FC9]  }
0x91: {  	s19 =	sld [smem:$0x3FC8]  }
0x92: {  	s4 =	sld [smem:$0x3FC7]  }
0x93: {  	s5 =	sld [smem:$0x3FC6]  }
0x94: {  	s6 =	sld [smem:$0x3FD0];
	(tm) =	ssettm $0x1  }
0x95: {  	s7 =	sld [smem:$0x3FFB];
	_ =	sdelay $0x3  }
0x96: {  	_ =	strace s7  }
0x97: {  	s7 =	sld [smem:$0x3FFC];
	_ =	sdelay $0x3  }
0x98: {  	_ =	strace s7  }
0x99: {  	s7 =	sld [smem:$0x3FFD];
	_ =	sdelay $0x3  }
0x9a: {  	_ =	strace s7  }
0x9b: {  	_ =	strace $0x8FFFFFFF  }
0x9c: {  	s20 =	sld [smem:$0x3FDB];
	_ =	sdelay $0x1  }
0x9d: {  	s8 =	simm.s32 $_scs_section_size  }
0x9e: {  	s9 =	simm.s32 $_size__tile_overlayer_lowered;
	s10 =	simm.s32 $_tile_overlayer_lowered  }
0x9f: {  	s23 =	simm.s32 $0x1BFF;
	s22 =	sshll.u32 s10, $0x1;
	s7 =	sadd.s32 s8, s20  }
0xa0: {  	s11 =	simm.s32 $0x0;
	s21 =	sshll.u32 s9, $0x1;
	s9 =	sadd.s32 s22, s7  }
0xa1: {  	[timem:s11], [sflag:s23] =	dma.local [hbm:s9], s21  }
0xa2: {  	_ =	swait.ge [sflag:s23], s21  }
0xa3: {  	s8 =	ssub.s32 $0x0, s21;
	[sflag:s23] =	ssyncset.done $0x0  }
0xa4: {  	[sflag:s23] =	ssyncadd.s32 s8;
	_ =	sdelay $0x1  }
0xa5: {  	s24 =	simm.s32 $0x1B8B  }
0xa6: {  	_ =	swait.ge [sflag:s24], $0x1  }
0xa7: {  	[sflag:s24] =	ssyncset.done $0x0  }
0xa8: {  	s25 =	simm.s32 $0x1B8E;
	[sflag:s24] =	ssyncadd.s32 $0xFFFFFFFF  }
0xa9: {  	s26 =	simm.s32 $execute0_lowered;
	[smem:$0x3FD2] =	sst s25  }
0xaa: {  	s8 =	sshll.u32 s26, $0x1;
	_ =	strace $0x80000046;
	[dreg:$0x1] =	wrdreg $0xFFFFFFFF  }
0xab: {  	s28 =	simm.s32 $_size_execute0_lowered;
	s7 =	sadd.s32 s7, s8;
	[dreg:$0x0] =	wrdreg $0x0  }
0xac: {  	s8 =	sshll.u32 s28, $0x1;
	[dreg:$0x2] =	wrdreg s7  }
0xad: {  	[dreg:$0x3] =	wrdreg s8  }
0xae: {  	[dreg:$0x4] =	wrdreg $0xC0  }
0xaf: {  	_ =	task [dreg:s11], $0x5FFFF  }
0xb0: {  	[dreg:$0x1] =	wrdreg $0xFFFFFFFF  }
0xb1: {  	[dreg:$0x0] =	wrdreg $0x60  }
0xb2: {  	[dreg:$0x2] =	wrdreg s2  }
0xb3: {  	[dreg:$0x3] =	wrdreg s19  }
0xb4: {  	[dreg:$0x4] =	wrdreg s4  }
0xb5: {  	[dreg:$0x5] =	wrdreg s5  }
0xb6: {  	[dreg:$0x6] =	wrdreg s6  }
0xb7: {  	[dreg:$0x7] =	wrdreg $0xA8800  }
0xb8: {  	[dreg:$0x8] =	wrdreg $0x9  }
0xb9: {  	_ =	task.clear_ibuf [dreg:s11], $0x9FFFF;
	_ =	strace $0x90000046  }
0xba: {  	s29 =	simm.s32 $0x9;
	_ =	strace $0x80000048  }
0xbb: {  	_ =	swait.ge [sflag:s29], $0x1  }
0xbc: {  	[sflag:s29] =	ssyncadd.s32 $0xFFFFFFFF  }
0xbd: {  	_ =	strace $0x90000048  }
0xbe: {  	_ =	sfence  }
0xbf: {  	s30 =	sld [smem:$0x0];
	_ =	sdelay $0x2  }
0xc0: {  	s31 =	sshll.u32 s1, $0xD;
	s1 =	sshrl.u32 s1, $0x2  }
0xc1: {  	s3 =	sand.u32 $0x4000, s31;
	s1 =	sadd.s32 s1, s30  }
0xc2: {  	s0 =	sor.u32 s3, s0;
	s1 =	sshll.u32 s1, $0x11  }
0xc3: {  	s0 =	sor.u32 s1, s0  }
0xc4: {  	s0 =	sadd.s32 $0x8F2B, s0  }
0xc5: {  	[sflag:s0] =	ssyncadd.remote.s32 $0x1  }
0xc6: {  	_ =	sfence.sel $0xFFFF  }
0xc7: {  	[dreg:$0x0] =	wrdreg $0xFFFFFFFF;
	(pc) =	sbr.abs _section_cstart, $3  }
0xc8: {  	[dreg:$0x1] =	wrdreg $0xFFFFFFFF  }
0xc9: {  	_ =	task.clear_ibuf [dreg:s11], $0x2FFFF;
	_ =	strace $0x9FFFFFFF  }
0xca: {  	(tm) =	ssettm $0x7FFFFFFF  }
0xcb: {  	_ =	shalt  }
tec
execute0_lowered:
.L_overlay_start_1:
0x0: {  	(tag) =	ssettag $0x1  }
0x1: {  	s1 =	rddreg [dreg:$0x0]  }
0x2: {  	s0 =	rddreg [dreg:$0x1]  }
0x3: {  	s2 =	rddreg [dreg:$0x4]  }
0x4: {  	s4 =	rddreg [dreg:$0x5];
	s6 =	simm.s32 $0x0;
	s3 =	srdreg.scid  }
0x5: {  	s5 =	stileid.u32;
	s15 =	simm.s32 $0xA080;
	s16 =	simm.s32 $0x3  }
0x6: {  	s19 =	simm.s32 $0x50;
	s20 =	simm.s32 $0x4E80;
	s21 =	simm.s32 $0x7680  }
0x7: {  	s22 =	simm.s32 $0x1;
	s23 =	simm.s32 $0x2;
	[smem:$0x7FF] =	sst s6  }
0x8: {  	s3 =	sand.u32 $0x1, s3;
	s10 =	smul.u32 $0x4E000, s5;
	p0 =	seq.s32 s5, $0xF  }
0x9: {  	s30 =	smul.u32 $0x13800, s5;
	s31 =	sshll.u32 s5, $0x8;
	s7 =	ssub.s32 $0x2, s3  }
0xa: {  	s8 =	sshll.u32 s3, $0x4;
	_ =	strace $0x80000047;
	s3 =	smul.u32 $0x139800, s3  }
0xb: {  	s9 =	sshrl.u32 s7, $0x1;
	s8 =	sor.u32 s5, s8;
	s29 =	sshrl.u32 s10, $0x2  }
0xc: {  	s14 =	ssub.s32 s7, s9;
	s28 =	smul.u32 $0x9C4, s8;
	s7 =	simm.s32 $0x28  }
0xd: {  	s8 =	sadd.s32 s29, s4;
	s11 =	sadd.s32 s30, s3;
	s3 =	sshrl.u32 s3, $0x3  }
0xe: {  	s7 =	simm.s32 @!p0 $0x27;
	s9 =	sadd.s32 s0, s28;
	s0 =	sadd.s32 s31, s4  }
0xf: {  	s12 =	sshrl.u32 s11, $0x3;
	s3 =	sadd.s32 s2, s3;
	s10 =	sadd.s32 $0x138800, s0  }
0x10: {  	s14 =	smax.u32 s14, $0x1;
	s11 =	sadd.s32 $0x138880, s0;
	s0 =	sadd.s32 $0x124800, s4  }
0x11: {  	v0 =	vimm.f32 $0.0e+00;
	s12 =	sadd.s32 s2, s12;
	s13 =	sadd.s32 $0x24900, s3;
	s24 =	sshrl.u32 @p0 s0, $0x3  }
.LBB2_1:
0x12: {  	s0 =	simm.s32 $0x0;
	s2 =	simm.s32 $0x200  }
.LBB2_2:
0x13: {  	p1 =	sne.s32 s2, $0x1E00;
	[tilespmem:s0+$0xA0F0] =	vst v0  }
0x14: {  	[tilespmem:s0+$0xA080] =	vst v0  }
0x15: {  	[tilespmem:s0+$0xA090] =	vst v0  }
.Ltmp0:
0x16: {  	[tilespmem:s0+$0xA0A0] =	vst v0;
	(pc) =	sbr.rel @p1 .LBB2_2-.Ltmp0, $4  }
0x17: {  	[tilespmem:s0+$0xA0B0] =	vst v0  }
0x18: {  	[tilespmem:s0+$0xA0C0] =	vst v0  }
0x19: {  	[tilespmem:s0+$0xA0D0] =	vst v0  }
0x1a: {  	[tilespmem:s0+$0xA0E0] =	vst v0;
	s0 =	sshra.s32 s2, $0x2;
	s2 =	sadd.s32 $0x200, s2  }
0x1b: {  	[tilespmem:s0+$0xA0F0] =	vst v0  }
0x1c: {  	[tilespmem:s0+$0xA080] =	vst v0  }
0x1d: {  	[tilespmem:s0+$0xA090] =	vst v0  }
0x1e: {  	[tilespmem:s0+$0xA0A0] =	vst v0  }
0x1f: {  	[tilespmem:s0+$0xA0B0] =	vst v0  }
0x20: {  	[tilespmem:s0+$0xA0C0] =	vst v0;
	p1 =	sne.s32 s7, $0x1  }
.Ltmp1:
0x21: {  	[tilespmem:s0+$0xA0D0] =	vst v0;
	(pc) =	sbr.rel @!p1 .LBB2_5-.Ltmp1, $4  }
0x22: {  	[tilespmem:s0+$0xA0E0] =	vst v0  }
0x23: {  	[spmem:s8] =	stream.linear.scatter [tilespmem:s15], [sflag:$0x3], $0x800, $0x38;
	[tilespmem:$0x1E200] =	vst v63  }
0x24: {  	_ =	swait.ge [sflag:s16], $0x800  }
0x25: {  	s0 =	sadd.s32 $0xFFFFFFFF, s7;
	s2 =	smov.u32 s8;
	[sflag:s16] =	ssyncset.done $0x0  }
.LBB2_4:
0x26: {  	p1 =	sne.s32 s0, $0x1;
	[sflag:s16] =	ssyncadd.s32 $0xFFFFF800;
	s2 =	sadd.s32 $0x800, s2  }
.Ltmp2:
0x27: {  	s0 =	sadd.s32 $0xFFFFFFFF, s0;
	(pc) =	sbr.rel @p1 .LBB2_4-.Ltmp2, $4  }
0x28: {  	_ = 	snop  }
0x29: {  	[spmem:s2] =	stream.linear.scatter [tilespmem:s15], [sflag:$0x3], $0x800, $0x38;
	[tilespmem:$0x1E200] =	vst v63  }
0x2a: {  	_ =	swait.ge [sflag:s16], $0x800  }
0x2b: {  	[sflag:s16] =	ssyncset.done $0x0  }
.LBB2_5:
0x2c: {  	[sflag:s16] =	ssyncadd.s32 $0xFFFFF800;
	s25 =	simm.s32 $0x0  }
0x2d: {  	[tilespmem:s25], [sflag:$0x3] =	stream.linear.gather [hbm4b:s9+s25], $0x4E20, $0x38;
	[tilespmem:$0x1E200] =	vst v63  }
0x2e: {  	_ =	swait.ge [sflag:s16], $0x4E20  }
0x2f: {  	[sflag:s16] =	ssyncset.done $0x0  }
0x30: {  	[sflag:s16] =	ssyncadd.s32 $0xFFFFB1E0  }
0x31: {  	s2 =	simm.s32 $0x9F80;
	s0 =	rddreg [dreg:$0x2]  }
0x32: {  	[tilespmem:s2], [sflag:$0x3] =	stream.linear.gather [hbm4b:s0+s25], $0x80, $0x38;
	[tilespmem:$0x1E200] =	vst v63  }
0x33: {  	_ =	swait.ge [sflag:s16], $0x80  }
0x34: {  	[sflag:s16] =	ssyncset.done $0x0  }
0x35: {  	[sflag:s16] =	ssyncadd.s32 $0xFFFFFF80  }
0x36: {  	s31 =	simm.s32 $0xA000;
	s30 =	rddreg [dreg:$0x3]  }
0x37: {  	[tilespmem:s31], [sflag:$0x3] =	stream.linear.gather [hbm4b:s30+s25], $0x80, $0x38;
	[tilespmem:$0x1E200] =	vst v63  }
0x38: {  	_ =	swait.ge [sflag:s16], $0x80  }
0x39: {  	[sflag:s16] =	ssyncset.done $0x0  }
0x3a: {  	[sflag:s16] =	ssyncadd.s32 $0xFFFFFF80  }
0x3b: {  	[bflag:$0x0] =	sbarrier.arrive $0xFFFF  }
0x3c: {  	v1 =	vld [tilespmem:$0xA000]  }
0x3d: {  	v2 =	vld [tilespmem:$0x9F80]  }
0x3e: {  	v4 =	vld [tilespmem:$0x9FA0]  }
0x3f: {  	v7 =	vimm.f32 $0.0e+00;
	v13 =	vimm.f32 $0.0e+00;
	s26 =	simm.s32 $0x51;
	v3 =	vld [tilespmem:$0x9F90]  }
0x40: {  	v6 =	vimm.f32 $0.0e+00;
	v10 =	vimm.f32 $0.0e+00;
	v8 =	vimm.f32 $0.0e+00;
	s28 =	simm.s32 $0x0;
	s0 =	simm.s32 $0xFFFFFFFF;
	s2 =	simm.s32 $0x0  }
0x41: {  	v9 =	vimm.f32 $0.0e+00;
	v12 =	vimm.f32 $0.0e+00;
	v11 =	vimm.f32 $0.0e+00;
	v5 =	vld [tilespmem:$0x9FB0];
	[tilespmem:s20], [sflag:$0x1] =	stream.indirect.gather [hbm4b:s1+s19], $0x80, s25, s19, $0xb8  }
.LBB2_6:
0x42: {  	s3 =	sshllo.u32 s28, $0x1  }
0x43: {  	s3 =	smul.u32 $0x140, s3;
	_ =	sdelay $0x1  }
0x44: {  	v14 =	vmov s25;
	s3 =	sshra.s32 s3, $0x2  }
0x45: {  	[tilespmem:s21], [sflag:$0x2] =	stream.indirect.gather [hbm4b:s1+s19], $0x80, s3, s19, $0xb8;
	[tilespmem:$0x1E200] =	vst v63  }
0x46: {  	_ =	swait.ge [sflag:s22], $0x2800  }
0x47: {  	[sflag:s22] =	ssyncset.done $0x0  }
0x48: {  	s17 =	simm.s32 $0x1;
	[sflag:s22] =	ssyncadd.s32 $0xFFFFD800  }
0x49: {  	v15 =	vld.idx.msk [tilespmem:v14+s17+$0x0 ss:$0x1], $0xffff;
	_ =	sdelay $0x4  }
0x4a: {  	(v2sf) =	vpush v15, $0x0;
	_ =	sdelay $0xe  }
0x4b: {  	s30 =	spop (v2sf)  }
0x4c: {  	p2 =	sgt.s32 s0, $0xFFFFFFFF;
	p1 =	sne.s32 s30, s0  }
0x4d: {  	p1 =	por !p2, !p1  }
0x4e: {  	p2 =	por !p1, !p1  }
0x4f: {  	[tilespmem:$0x9EB0] =	vst @p2 v8  }
0x50: {  	[tilespmem:$0x9EF0] =	vst @p2 v7  }
0x51: {  	[tilespmem:$0x9E80] =	vst @p2 v11  }
0x52: {  	p3 =	sne.s32 @p2 s2, $0x0;
	[tilespmem:$0x9EA0] =	vst @p2 v9;
	p1 =	por p2, p2  }
0x53: {  	p4 =	por !p3, !p2;
	[tilespmem:$0x9E90] =	vst @p1 v12  }
0x54: {  	[tilespmem:$0x9EE0] =	vst @p1 v13;
	s3 =	sshll.u32 @!p4 s0, $0x9  }
0x55: {  	[tilespmem:$0x9EC0] =	vst @p1 v10;
	s3 =	sshra.s32 @!p4 s3, $0x2  }
0x56: {  	[tilespmem:$0x9ED0] =	vst @p1 v6;
	p3 =	por p3, !p1;
	s29 =	simm.s32 @!p4 $0x9E80;
	s3 =	sadd.s32 @!p4 s3, s4  }
0x57: {  	[spmem:s3] =	stream.linear.scatter @!p4 [tilespmem:s29], [sflag:$0x3], $0x80, $0x38;
	[tilespmem:$0x1E200] =	vst v63  }
0x58: {  	v15 =	vmov @!p3 s0;
	s0 =	simm.s32 @!p3 $0x9E80;
	s3 =	simm.s32 @!p3 $0x3  }
0x59: {  	v15 =	vcvt.s32.f32 @!p3 v15;
	[spmem:s10] =	stream.linear.scatter @!p3 [tilespmem:s0], [sflag:$0x3], $0x80, $0x38;
	[tilespmem:$0x1E200] =	vst v63  }
0x5a: {  	_ =	swait.ge @!p3 [sflag:s3], $0x80  }
0x5b: {  	v15 =	vbroadcast @!p3 v15, $0x0;
	[sflag:s3] =	ssyncset.done @!p3 $0x0  }
0x5c: {  	[sflag:s3] =	ssyncadd.s32 @!p3 $0xFFFFFF80  }
0x5d: {  	[tilespmem:$0x9F70] =	vst @!p3 v15  }
0x5e: {  	[tilespmem:$0x9F50] =	vst @!p3 v15  }
0x5f: {  	[tilespmem:$0x9F60] =	vst @!p3 v15  }
0x60: {  	[tilespmem:$0x9F40] =	vst @!p3 v15  }
0x61: {  	[tilespmem:$0x9F30] =	vst @!p3 v15  }
0x62: {  	[tilespmem:$0x9F00] =	vst @!p3 v15  }
0x63: {  	[tilespmem:$0x9F20] =	vst @!p3 v15  }
0x64: {  	s0 =	simm.s32 @!p3 $0x9F00;
	s3 =	simm.s32 @p1 $0x3;
	[tilespmem:$0x9F10] =	vst @!p3 v15  }
0x65: {  	[spmem:s11] =	stream.linear.scatter @!p3 [tilespmem:s0], [sflag:$0x3], $0x80, $0x38;
	[tilespmem:$0x1E200] =	vst v63  }
0x66: {  	_ =	swait.ge @p1 [sflag:s3], $0x80  }
0x67: {  	[sflag:s3] =	ssyncset.done @p1 $0x0  }
0x68: {  	s31 =	simm.s32 $0x4F70;
	[sflag:s3] =	ssyncadd.s32 @p1 $0xFFFFFF80  }
0x69: {  	v15 =	vld [tilespmem:s31+$0xFFFFFF40]  }
0x6a: {  	v16 =	vld [tilespmem:s31+$0x0]  }
0x6b: {  	v17 =	vld [tilespmem:s31+$0xFFFFFF10]  }
0x6c: {  	v19 =	vld [tilespmem:s31+$0xFFFFFF30]  }
0x6d: {  	v20 =	vld [tilespmem:s31+$0xFFFFFFD0]  }
0x6e: {  	v21 =	vld [tilespmem:s31+$0xFFFFFFF0]  }
0x6f: {  	s18 =	simm.s32 $0x3;
	v22 =	vld [tilespmem:s31+$0xFFFFFF20]  }
0x70: {  	v23 =	vld.idx.msk [tilespmem:v14+s18+$0x0 ss:$0x1], $0xffff  }
0x71: {  	v15 =	vadd.f32 v16, v15;
	v16 =	vld [tilespmem:s31+$0xFFFFFFE0];
	_ =	sdelay $0x1  }
0x72: {  	v15 =	vmax.f32 v15, $0.0e+00  }
0x73: {  	v18 =	vadd.f32 $1.000000010e-07, v15;
	v15 =	vadd.f32 v20, v17  }
0x74: {  	(v2sf) =	vpush v23, $0x0;
	v17 =	vadd.f32 v21, v19  }
0x75: {  	v19 =	vmul.f32 v18, v1;
	v15 =	vmax.f32 v15, $0.0e+00;
	v20 =	vadd.f32 v16, v22  }
0x76: {  	v16 =	vmax.f32 v17, $0.0e+00;
	v17 =	vadd.f32 $1.000000010e-07, v15  }
0x77: {  	s3 =	simm.s32 $0x1;
	v16 =	vadd.f32 $1.000000010e-07, v16;
	v22 =	vsub.f32 v19, v5;
	v15 =	vmax.f32 v20, $0.0e+00  }
0x78: {  	s3 =	simm.s32 @!p2 $0x0;
	v21 =	vmul.f32 v17, v1;
	v15 =	vadd.f32 $1.000000010e-07, v15  }
0x79: {  	s0 =	simm.s32 $0x14;
	s29 =	sor.u32 s3, s2;
	v19 =	vmul.f32 v16, v1;
	v20 =	vmul.f32 $1.442695020e+00, v22  }
.LBB2_7:
0x7a: {  	v21 =	vsub.f32 v21, v2;
	v22 =	vmul.f32 v15, v1;
	s31 =	sadd.s32 $0x100, s31;
	s2 =	smov.u32 s0;
	s0 =	sadd.s32 $0x8, s0  }
0x7b: {  	v19 =	vsub.f32 v19, v4;
	p2 =	sne.s32 s0, $0x144;
	(erf) = vpow2.f32 v20  }
0x7c: {  	v20 =	vmul.f32 $1.442695020e+00, v21;
	v21 =	vsub.f32 v22, v3  }
0x7d: {  	v19 =	vmul.f32 $1.442695020e+00, v19  }
0x7e: {  	v21 =	vmul.f32 $1.442695020e+00, v21;
	(erf) = vpow2.f32 v20  }
0x7f: {  	(erf) = vpow2.f32 v19  }
0x80: {  	(erf) = vpow2.f32 v21;
	_ =	sdelay $0x3  }
0x81: {  	v8 =	vpsel p1, $0x0, v8;
	s3 =	spop (v2sf);
	v19 =	vpop (erf)  }
0x82: {  	p4 =	sgt.s32 s30, $0xFFFFFFFF;
	v7 =	vpsel p1, $0x0, v7;
	p3 =	sne.s32 s3, s30;
	v8 =	vadd.f32 v19, v8;
	v19 =	vmul.f32 v19, v18  }
0x83: {  	v13 =	vpsel p1, $0x0, v13;
	p3 =	por !p4, !p3  }
0x84: {  	v10 =	vpsel p1, $0x0, v10;
	v11 =	vpsel p1, $0x0, v11;
	s17 =	simm.s32 $0x1;
	p4 =	por !p3, !p3;
	v7 =	vadd.f32 v19, v7;
	v18 =	vpop (erf)  }
0x85: {  	v9 =	vpsel p1, $0x0, v9;
	[tilespmem:$0x9EB0] =	vst @p4 v8;
	p3 =	sne.s32 @p4 s29, $0x0;
	s17 =	simm.s32 @!p4 $0x0;
	v11 =	vadd.f32 v18, v11;
	v17 =	vmul.f32 v18, v17;
	v18 =	vpop (erf)  }
0x86: {  	v12 =	vpsel p1, $0x0, v12;
	[tilespmem:$0x9EF0] =	vst @p4 v7;
	p5 =	por !p3, !p4;
	s29 =	sor.u32 s17, s29;
	v9 =	vadd.f32 v18, v9;
	v16 =	vmul.f32 v18, v16;
	v18 =	vpop (erf)  }
0x87: {  	[tilespmem:$0x9E80] =	vst @p4 v11;
	s17 =	sshll.u32 @!p5 s30, $0x9;
	v10 =	vadd.f32 v17, v10;
	v12 =	vadd.f32 v18, v12;
	v15 =	vmul.f32 v18, v15  }
0x88: {  	v6 =	vpsel p1, $0x0, v6;
	p1 =	por p4, p4;
	[tilespmem:$0x9EA0] =	vst @p4 v9;
	s17 =	sshra.s32 @!p5 s17, $0x2;
	v13 =	vadd.f32 v16, v13  }
0x89: {  	s18 =	simm.s32 @!p5 $0x9E80;
	[tilespmem:$0x9E90] =	vst @p1 v12;
	s17 =	sadd.s32 @!p5 s17, s4;
	v6 =	vadd.f32 v15, v6  }
0x8a: {  	[tilespmem:$0x9EE0] =	vst @p1 v13  }
0x8b: {  	[tilespmem:$0x9EC0] =	vst @p1 v10  }
0x8c: {  	p3 =	por p3, !p1;
	[tilespmem:$0x9ED0] =	vst @p1 v6  }
0x8d: {  	v15 =	vmov @!p3 s30;
	[spmem:s17] =	stream.linear.scatter @!p5 [tilespmem:s18], [sflag:$0x3], $0x80, $0x38;
	[tilespmem:$0x1E200] =	vst v63  }
0x8e: {  	s30 =	smov.u32 s3;
	v15 =	vcvt.s32.f32 @!p3 v15;
	s17 =	simm.s32 @!p3 $0x9E80;
	s18 =	simm.s32 @!p3 $0x3  }
0x8f: {  	[spmem:s10] =	stream.linear.scatter @!p3 [tilespmem:s17], [sflag:$0x3], $0x80, $0x38;
	[tilespmem:$0x1E200] =	vst v63  }
0x90: {  	_ =	swait.ge @!p3 [sflag:s18], $0x80  }
0x91: {  	v15 =	vbroadcast @!p3 v15, $0x0;
	[sflag:s18] =	ssyncset.done @!p3 $0x0  }
0x92: {  	[sflag:s18] =	ssyncadd.s32 @!p3 $0xFFFFFF80  }
0x93: {  	[tilespmem:$0x9F70] =	vst @!p3 v15  }
0x94: {  	[tilespmem:$0x9F50] =	vst @!p3 v15  }
0x95: {  	[tilespmem:$0x9F60] =	vst @!p3 v15  }
0x96: {  	[tilespmem:$0x9F40] =	vst @!p3 v15  }
0x97: {  	[tilespmem:$0x9F30] =	vst @!p3 v15  }
0x98: {  	[tilespmem:$0x9F00] =	vst @!p3 v15  }
0x99: {  	[tilespmem:$0x9F20] =	vst @!p3 v15  }
0x9a: {  	s3 =	simm.s32 @!p3 $0x9F00;
	s17 =	simm.s32 @p1 $0x3;
	[tilespmem:$0x9F10] =	vst @!p3 v15  }
0x9b: {  	[spmem:s11] =	stream.linear.scatter @!p3 [tilespmem:s3], [sflag:$0x3], $0x80, $0x38;
	[tilespmem:$0x1E200] =	vst v63  }
0x9c: {  	_ =	swait.ge @p1 [sflag:s17], $0x80  }
0x9d: {  	[sflag:s17] =	ssyncset.done @p1 $0x0  }
0x9e: {  	[sflag:s17] =	ssyncadd.s32 @p1 $0xFFFFFF80  }
0x9f: {  	v15 =	vld [tilespmem:s31+$0xFFFFFF40]  }
0xa0: {  	v16 =	vld [tilespmem:s31+$0x0]  }
0xa1: {  	v17 =	vld [tilespmem:s31+$0xFFFFFF10]  }
0xa2: {  	v19 =	vld [tilespmem:s31+$0xFFFFFF30]  }
0xa3: {  	v20 =	vld [tilespmem:s31+$0xFFFFFF20]  }
0xa4: {  	v21 =	vld [tilespmem:s31+$0xFFFFFFD0]  }
0xa5: {  	s2 =	sshra.s32 s2, $0x2;
	v22 =	vld [tilespmem:s31+$0xFFFFFFF0];
	v15 =	vadd.f32 v16, v15  }
0xa6: {  	v16 =	vld.idx.msk [tilespmem:v14+s2+$0x0 ss:$0x1], $0xffff  }
0xa7: {  	v23 =	vld [tilespmem:s31+$0xFFFFFFE0];
	v15 =	vmax.f32 v15, $0.0e+00  }
0xa8: {  	v18 =	vadd.f32 $1.000000010e-07, v15  }
0xa9: {  	v15 =	vadd.f32 v21, v17  }
0xaa: {  	v17 =	vadd.f32 v22, v19;
	v19 =	vmul.f32 v18, v1  }
0xab: {  	v15 =	vmax.f32 v15, $0.0e+00  }
.Ltmp3:
0xac: {  	(v2sf) =	vpush v16, $0x0;
	v20 =	vadd.f32 v23, v20;
	v16 =	vmax.f32 v17, $0.0e+00;
	(pc) =	sbr.rel @p2 .LBB2_7-.Ltmp3, $4  }
0xad: {  	v17 =	vadd.f32 $1.000000010e-07, v15;
	v16 =	vadd.f32 $1.000000010e-07, v16  }
0xae: {  	v15 =	vmax.f32 v20, $0.0e+00;
	v20 =	vsub.f32 v19, v5  }
0xaf: {  	v21 =	vmul.f32 v17, v1;
	v15 =	vadd.f32 $1.000000010e-07, v15;
	v19 =	vmul.f32 v16, v1  }
0xb0: {  	v20 =	vmul.f32 $1.442695020e+00, v20  }
0xb1: {  	_ = 	snop  }
0xb2: {  	v14 =	vsub.f32 v21, v2;
	(erf) = vpow2.f32 v20  }
0xb3: {  	v21 =	vmul.f32 v15, v1;
	v19 =	vsub.f32 v19, v4  }
0xb4: {  	v14 =	vmul.f32 $1.442695020e+00, v14  }
0xb5: {  	v20 =	vsub.f32 v21, v3;
	v19 =	vmul.f32 $1.442695020e+00, v19  }
0xb6: {  	(erf) = vpow2.f32 v14  }
0xb7: {  	v20 =	vmul.f32 $1.442695020e+00, v20;
	(erf) = vpow2.f32 v19;
	_ =	sdelay $0x1  }
0xb8: {  	(erf) = vpow2.f32 v20;
	_ =	sdelay $0x1  }
0xb9: {  	v14 =	vpop (erf)  }
0xba: {  	s0 =	spop (v2sf);
	v18 =	vmul.f32 v14, v18  }
0xbb: {  	v8 =	vpsel p1, $0x0, v8;
	p3 =	sgt.s32 s30, $0xFFFFFFFF;
	p2 =	sne.s32 s0, s30  }
0xbc: {  	v7 =	vpsel p1, $0x0, v7;
	v8 =	vadd.f32 v14, v8;
	p2 =	por !p3, !p2  }
0xbd: {  	v11 =	vpsel p1, $0x0, v11;
	p2 =	por !p2, !p2;
	v7 =	vadd.f32 v18, v7;
	v14 =	vpop (erf)  }
0xbe: {  	v9 =	vpsel p1, $0x0, v9;
	[tilespmem:$0x9EB0] =	vst @p2 v8;
	v11 =	vadd.f32 v14, v11;
	v14 =	vmul.f32 v14, v17;
	v18 =	vpop (erf)  }
0xbf: {  	v10 =	vpsel p1, $0x0, v10;
	[tilespmem:$0x9EF0] =	vst @p2 v7;
	v9 =	vadd.f32 v18, v9  }
0xc0: {  	v12 =	vpsel p1, $0x0, v12;
	v16 =	vmul.f32 v18, v16;
	v18 =	vpop (erf);
	[tilespmem:$0x9E80] =	vst @p2 v11;
	v14 =	vadd.f32 v14, v10  }
0xc1: {  	v13 =	vpsel p1, $0x0, v13;
	p4 =	sne.s32 @p2 s29, $0x0;
	p3 =	por p2, p2;
	v12 =	vadd.f32 v18, v12;
	v15 =	vmul.f32 v18, v15;
	[tilespmem:$0x9EA0] =	vst @p2 v9  }
0xc2: {  	v6 =	vpsel p1, $0x0, v6;
	p5 =	por !p4, !p2;
	v13 =	vadd.f32 v16, v13;
	[tilespmem:$0x9EC0] =	vst @p3 v14  }
0xc3: {  	s2 =	sshll.u32 @!p5 s30, $0x9;
	[tilespmem:$0x9E90] =	vst @p3 v12;
	v15 =	vadd.f32 v15, v6  }
0xc4: {  	s2 =	sshra.s32 @!p5 s2, $0x2;
	[tilespmem:$0x9EE0] =	vst @p3 v13  }
0xc5: {  	p1 =	por p4, !p3;
	s3 =	simm.s32 @!p5 $0x9E80;
	s2 =	sadd.s32 @!p5 s2, s4;
	[tilespmem:$0x9ED0] =	vst @p3 v15  }
0xc6: {  	[spmem:s2] =	stream.linear.scatter @!p5 [tilespmem:s3], [sflag:$0x3], $0x80, $0x38;
	[tilespmem:$0x1E200] =	vst v63  }
0xc7: {  	v6 =	vmov @!p1 s30;
	s2 =	simm.s32 @!p1 $0x9E80;
	s3 =	simm.s32 @!p1 $0x3  }
0xc8: {  	v6 =	vcvt.s32.f32 @!p1 v6;
	[spmem:s10] =	stream.linear.scatter @!p1 [tilespmem:s2], [sflag:$0x3], $0x80, $0x38;
	[tilespmem:$0x1E200] =	vst v63  }
0xc9: {  	_ =	swait.ge @!p1 [sflag:s3], $0x80  }
0xca: {  	v6 =	vbroadcast @!p1 v6, $0x0;
	[sflag:s3] =	ssyncset.done @!p1 $0x0  }
0xcb: {  	[sflag:s3] =	ssyncadd.s32 @!p1 $0xFFFFFF80  }
0xcc: {  	[tilespmem:$0x9F70] =	vst @!p1 v6  }
0xcd: {  	[tilespmem:$0x9F50] =	vst @!p1 v6  }
0xce: {  	[tilespmem:$0x9F60] =	vst @!p1 v6  }
0xcf: {  	[tilespmem:$0x9F40] =	vst @!p1 v6  }
0xd0: {  	[tilespmem:$0x9F30] =	vst @!p1 v6  }
0xd1: {  	[tilespmem:$0x9F00] =	vst @!p1 v6  }
0xd2: {  	[tilespmem:$0x9F20] =	vst @!p1 v6  }
0xd3: {  	s2 =	simm.s32 @!p1 $0x9F00;
	s3 =	simm.s32 @p3 $0x3;
	[tilespmem:$0x9F10] =	vst @!p1 v6  }
0xd4: {  	[spmem:s11] =	stream.linear.scatter @!p1 [tilespmem:s2], [sflag:$0x3], $0x80, $0x38;
	[tilespmem:$0x1E200] =	vst v63  }
0xd5: {  	_ =	swait.ge @p3 [sflag:s3], $0x80  }
0xd6: {  	[sflag:s3] =	ssyncset.done @p3 $0x0  }
0xd7: {  	s18 =	sadd.s32 $0x100, s31;
	[sflag:s3] =	ssyncadd.s32 @p3 $0xFFFFFF80  }
0xd8: {  	v6 =	vld [tilespmem:s18+$0xFFFFFF40]  }
0xd9: {  	v10 =	vld [tilespmem:s18+$0x0]  }
0xda: {  	v16 =	vld [tilespmem:s18+$0xFFFFFF10]  }
0xdb: {  	v17 =	vld [tilespmem:s18+$0xFFFFFF30]  }
0xdc: {  	v18 =	vld [tilespmem:s18+$0xFFFFFF20]  }
0xdd: {  	v19 =	vld [tilespmem:s18+$0xFFFFFFD0]  }
0xde: {  	v20 =	vld [tilespmem:s18+$0xFFFFFFF0]  }
0xdf: {  	v21 =	vld [tilespmem:s18+$0xFFFFFFE0];
	_ =	sdelay $0x1  }
0xe0: {  	v6 =	vadd.f32 v10, v6  }
0xe1: {  	v10 =	vadd.f32 v19, v16  }
0xe2: {  	v16 =	vadd.f32 v20, v17;
	v6 =	vmax.f32 v6, $0.0e+00  }
0xe3: {  	v17 =	vadd.f32 $1.000000010e-07, v6;
	v6 =	vmax.f32 v10, $0.0e+00;
	v10 =	vadd.f32 v21, v18  }
0xe4: {  	v16 =	vmax.f32 v16, $0.0e+00;
	v18 =	vadd.f32 $1.000000010e-07, v6  }
0xe5: {  	v16 =	vadd.f32 $1.000000010e-07, v16;
	v6 =	vmul.f32 v17, v1;
	v10 =	vmax.f32 v10, $0.0e+00  }
0xe6: {  	v19 =	vmul.f32 v18, v1;
	v20 =	vadd.f32 $1.000000010e-07, v10  }
0xe7: {  	v10 =	vmul.f32 v16, v1;
	v6 =	vsub.f32 v6, v5  }
0xe8: {  	v19 =	vsub.f32 v19, v2;
	v21 =	vmul.f32 v20, v1  }
0xe9: {  	v10 =	vsub.f32 v10, v4;
	v6 =	vmul.f32 $1.442695020e+00, v6  }
0xea: {  	v19 =	vmul.f32 $1.442695020e+00, v19;
	v21 =	vsub.f32 v21, v3  }
0xeb: {  	(erf) = vpow2.f32 v6;
	v6 =	vmul.f32 $1.442695020e+00, v10  }
0xec: {  	v10 =	vmul.f32 $1.442695020e+00, v21;
	(erf) = vpow2.f32 v19  }
0xed: {  	(erf) = vpow2.f32 v6  }
0xee: {  	(erf) = vpow2.f32 v10;
	_ =	sdelay $0x3  }
0xef: {  	p1 =	seq.s32 s28, $0x7C  }
0xf0: {  	s2 =	smul.u32 @!p1 $0x280, s28  }
0xf1: {  	v10 =	vpop (erf)  }
0xf2: {  	s2 =	sshra.s32 @!p1 s2, $0x2;
	v19 =	vpop (erf)  }
0xf3: {  	s17 =	simm.s32 @!p1 $0x4E80;
	s3 =	simm.s32 @!p1 $0x50;
	s2 =	sadd.s32 @!p1 $0xA0, s2;
	v6 =	vmov s26;
	v21 =	vpop (erf)  }
0xf4: {  	[tilespmem:s17], [sflag:$0x1] =	stream.indirect.gather @!p1 [hbm4b:s1+s3], $0x80, s2, s3, $0xb8;
	v22 =	vpop (erf);
	[tilespmem:$0x1E200] =	vst v63  }
0xf5: {  	_ =	swait.ge [sflag:s23], $0x2800  }
0xf6: {  	[sflag:s23] =	ssyncset.done $0x0  }
0xf7: {  	s17 =	simm.s32 $0x0;
	[sflag:s23] =	ssyncadd.s32 $0xFFFFD800  }
0xf8: {  	v23 =	vld.idx.msk [tilespmem:v6+s17+$0x0 ss:$0x1], $0xffff;
	_ =	sdelay $0x4  }
0xf9: {  	(v2sf) =	vpush v23, $0x0;
	_ =	sdelay $0xe  }
0xfa: {  	s30 =	spop (v2sf)  }
0xfb: {  	p6 =	sgt.s32 s0, $0xFFFFFFFF;
	v8 =	vpsel p3, $0x0, v8;
	v17 =	vmul.f32 v10, v17;
	p5 =	sne.s32 s30, s0  }
0xfc: {  	v23 =	vpsel p3, $0x0, v7;
	v7 =	vadd.f32 v10, v8;
	p1 =	por !p6, !p5  }
0xfd: {  	v8 =	vpsel p3, $0x0, v11;
	v11 =	vadd.f32 v17, v23;
	p4 =	por !p1, !p1  }
0xfe: {  	s2 =	simm.s32 $0x1;
	v10 =	vpsel p3, $0x0, v9;
	v9 =	vadd.f32 v19, v8;
	[tilespmem:$0x9EB0] =	vst @p4 v7  }
0xff: {  	s2 =	simm.s32 @!p2 $0x0;
	v16 =	vmul.f32 v21, v16;
	v8 =	vpsel p3, $0x0, v12;
	v10 =	vadd.f32 v21, v10;
	[tilespmem:$0x9EF0] =	vst @p4 v11  }
0x100: {  	v13 =	vpsel p3, $0x0, v13;
	s2 =	sor.u32 s2, s29;
	v17 =	vmul.f32 v19, v18;
	v12 =	vadd.f32 v22, v8;
	[tilespmem:$0x9E80] =	vst @p4 v9  }
0x101: {  	v18 =	vmul.f32 v22, v20;
	v8 =	vpsel p3, $0x0, v14;
	v14 =	vadd.f32 v16, v13;
	p2 =	sne.s32 @p4 s2, $0x0;
	[tilespmem:$0x9EA0] =	vst @p4 v10;
	p1 =	por p4, p4  }
0x102: {  	v13 =	vadd.f32 v17, v8;
	v8 =	vpsel p3, $0x0, v15;
	p3 =	por !p2, !p4;
	[tilespmem:$0x9E90] =	vst @p1 v12  }
0x103: {  	v8 =	vadd.f32 v18, v8;
	[tilespmem:$0x9EE0] =	vst @p1 v14;
	s3 =	sshll.u32 @!p3 s0, $0x9  }
0x104: {  	[tilespmem:$0x9EC0] =	vst @p1 v13;
	s3 =	sshra.s32 @!p3 s3, $0x2  }
0x105: {  	[tilespmem:$0x9ED0] =	vst @p1 v8;
	p2 =	por p2, !p1;
	s17 =	simm.s32 @!p3 $0x9E80;
	s3 =	sadd.s32 @!p3 s3, s4  }
0x106: {  	[spmem:s3] =	stream.linear.scatter @!p3 [tilespmem:s17], [sflag:$0x3], $0x80, $0x38;
	[tilespmem:$0x1E200] =	vst v63  }
0x107: {  	v15 =	vmov @!p2 s0;
	s0 =	simm.s32 @!p2 $0x9E80;
	s3 =	simm.s32 @!p2 $0x3  }
0x108: {  	v15 =	vcvt.s32.f32 @!p2 v15;
	[spmem:s10] =	stream.linear.scatter @!p2 [tilespmem:s0], [sflag:$0x3], $0x80, $0x38;
	[tilespmem:$0x1E200] =	vst v63  }
0x109: {  	_ =	swait.ge @!p2 [sflag:s3], $0x80  }
0x10a: {  	v15 =	vbroadcast @!p2 v15, $0x0;
	[sflag:s3] =	ssyncset.done @!p2 $0x0  }
0x10b: {  	[sflag:s3] =	ssyncadd.s32 @!p2 $0xFFFFFF80  }
0x10c: {  	[tilespmem:$0x9F70] =	vst @!p2 v15  }
0x10d: {  	[tilespmem:$0x9F50] =	vst @!p2 v15  }
0x10e: {  	[tilespmem:$0x9F60] =	vst @!p2 v15  }
0x10f: {  	[tilespmem:$0x9F40] =	vst @!p2 v15  }
0x110: {  	[tilespmem:$0x9F30] =	vst @!p2 v15  }
0x111: {  	[tilespmem:$0x9F00] =	vst @!p2 v15  }
0x112: {  	[tilespmem:$0x9F20] =	vst @!p2 v15  }
0x113: {  	s0 =	simm.s32 @!p2 $0x9F00;
	s3 =	simm.s32 @p1 $0x3;
	[tilespmem:$0x9F10] =	vst @!p2 v15  }
0x114: {  	[spmem:s11] =	stream.linear.scatter @!p2 [tilespmem:s0], [sflag:$0x3], $0x80, $0x38;
	[tilespmem:$0x1E200] =	vst v63  }
0x115: {  	_ =	swait.ge @p1 [sflag:s3], $0x80  }
0x116: {  	[sflag:s3] =	ssyncset.done @p1 $0x0  }
0x117: {  	s31 =	simm.s32 $0x7770;
	[sflag:s3] =	ssyncadd.s32 @p1 $0xFFFFFF80  }
0x118: {  	v15 =	vld [tilespmem:s31+$0xFFFFFF40]  }
0x119: {  	v16 =	vld [tilespmem:s31+$0x0]  }
0x11a: {  	v17 =	vld [tilespmem:s31+$0xFFFFFF10]  }
0x11b: {  	v18 =	vld [tilespmem:s31+$0xFFFFFF30]  }
0x11c: {  	v20 =	vld [tilespmem:s31+$0xFFFFFFD0]  }
0x11d: {  	v21 =	vld [tilespmem:s31+$0xFFFFFFF0]  }
0x11e: {  	s18 =	simm.s32 $0x2;
	v22 =	vld [tilespmem:s31+$0xFFFFFF20]  }
0x11f: {  	v23 =	vld.idx.msk [tilespmem:v6+s18+$0x0 ss:$0x1], $0xffff  }
0x120: {  	v15 =	vadd.f32 v16, v15;
	v16 =	vld [tilespmem:s31+$0xFFFFFFE0];
	_ =	sdelay $0x1  }
0x121: {  	v15 =	vmax.f32 v15, $0.0e+00  }
0x122: {  	v19 =	vadd.f32 $1.000000010e-07, v15;
	v15 =	vadd.f32 v20, v17  }
0x123: {  	(v2sf) =	vpush v23, $0x0;
	v17 =	vadd.f32 v21, v18  }
0x124: {  	v20 =	vmul.f32 v19, v1;
	v15 =	vmax.f32 v15, $0.0e+00;
	v16 =	vadd.f32 v16, v22  }
0x125: {  	v17 =	vmax.f32 v17, $0.0e+00;
	v18 =	vadd.f32 $1.000000010e-07, v15  }
0x126: {  	s3 =	simm.s32 $0x1;
	v17 =	vadd.f32 $1.000000010e-07, v17;
	v15 =	vsub.f32 v20, v5;
	v16 =	vmax.f32 v16, $0.0e+00  }
0x127: {  	s3 =	simm.s32 @!p4 $0x0;
	v22 =	vmul.f32 v18, v1;
	v16 =	vadd.f32 $1.000000010e-07, v16  }
0x128: {  	s0 =	simm.s32 $0x10;
	s29 =	sor.u32 s3, s2;
	v20 =	vmul.f32 v17, v1;
	v21 =	vmul.f32 $1.442695020e+00, v15  }
.LBB2_9:
0x129: {  	v15 =	vsub.f32 v22, v2;
	v22 =	vmul.f32 v16, v1;
	s31 =	sadd.s32 $0x100, s31;
	s2 =	smov.u32 s0;
	s0 =	sadd.s32 $0x8, s0  }
0x12a: {  	v20 =	vsub.f32 v20, v4;
	p2 =	sne.s32 s0, $0x140;
	(erf) = vpow2.f32 v21  }
0x12b: {  	v15 =	vmul.f32 $1.442695020e+00, v15;
	v21 =	vsub.f32 v22, v3  }
0x12c: {  	v20 =	vmul.f32 $1.442695020e+00, v20  }
0x12d: {  	v21 =	vmul.f32 $1.442695020e+00, v21;
	(erf) = vpow2.f32 v15  }
0x12e: {  	(erf) = vpow2.f32 v20  }
0x12f: {  	(erf) = vpow2.f32 v21;
	_ =	sdelay $0x3  }
0x130: {  	v7 =	vpsel p1, $0x0, v7;
	s3 =	spop (v2sf);
	v15 =	vpop (erf)  }
0x131: {  	p4 =	sgt.s32 s30, $0xFFFFFFFF;
	v11 =	vpsel p1, $0x0, v11;
	p3 =	sne.s32 s3, s30;
	v7 =	vadd.f32 v15, v7;
	v19 =	vmul.f32 v15, v19  }
0x132: {  	v14 =	vpsel p1, $0x0, v14;
	p3 =	por !p4, !p3  }
0x133: {  	v13 =	vpsel p1, $0x0, v13;
	v9 =	vpsel p1, $0x0, v9;
	s17 =	simm.s32 $0x1;
	p4 =	por !p3, !p3;
	v11 =	vadd.f32 v19, v11;
	v15 =	vpop (erf)  }
0x134: {  	v10 =	vpsel p1, $0x0, v10;
	[tilespmem:$0x9EB0] =	vst @p4 v7;
	p3 =	sne.s32 @p4 s29, $0x0;
	s17 =	simm.s32 @!p4 $0x0;
	v9 =	vadd.f32 v15, v9;
	v15 =	vmul.f32 v15, v18;
	v18 =	vpop (erf)  }
0x135: {  	v12 =	vpsel p1, $0x0, v12;
	[tilespmem:$0x9EF0] =	vst @p4 v11;
	p5 =	por !p3, !p4;
	s29 =	sor.u32 s17, s29;
	v10 =	vadd.f32 v18, v10;
	v17 =	vmul.f32 v18, v17;
	v18 =	vpop (erf)  }
0x136: {  	[tilespmem:$0x9E80] =	vst @p4 v9;
	s17 =	sshll.u32 @!p5 s30, $0x9;
	v13 =	vadd.f32 v15, v13;
	v12 =	vadd.f32 v18, v12;
	v15 =	vmul.f32 v18, v16  }
0x137: {  	v8 =	vpsel p1, $0x0, v8;
	p1 =	por p4, p4;
	[tilespmem:$0x9EA0] =	vst @p4 v10;
	s17 =	sshra.s32 @!p5 s17, $0x2;
	v14 =	vadd.f32 v17, v14  }
0x138: {  	s18 =	simm.s32 @!p5 $0x9E80;
	[tilespmem:$0x9E90] =	vst @p1 v12;
	s17 =	sadd.s32 @!p5 s17, s4;
	v8 =	vadd.f32 v15, v8  }
0x139: {  	[tilespmem:$0x9EE0] =	vst @p1 v14  }
0x13a: {  	[tilespmem:$0x9EC0] =	vst @p1 v13  }
0x13b: {  	p3 =	por p3, !p1;
	[tilespmem:$0x9ED0] =	vst @p1 v8  }
0x13c: {  	v15 =	vmov @!p3 s30;
	[spmem:s17] =	stream.linear.scatter @!p5 [tilespmem:s18], [sflag:$0x3], $0x80, $0x38;
	[tilespmem:$0x1E200] =	vst v63  }
0x13d: {  	s30 =	smov.u32 s3;
	v15 =	vcvt.s32.f32 @!p3 v15;
	s17 =	simm.s32 @!p3 $0x9E80;
	s18 =	simm.s32 @!p3 $0x3  }
0x13e: {  	[spmem:s10] =	stream.linear.scatter @!p3 [tilespmem:s17], [sflag:$0x3], $0x80, $0x38;
	[tilespmem:$0x1E200] =	vst v63  }
0x13f: {  	_ =	swait.ge @!p3 [sflag:s18], $0x80  }
0x140: {  	v15 =	vbroadcast @!p3 v15, $0x0;
	[sflag:s18] =	ssyncset.done @!p3 $0x0  }
0x141: {  	[sflag:s18] =	ssyncadd.s32 @!p3 $0xFFFFFF80  }
0x142: {  	[tilespmem:$0x9F70] =	vst @!p3 v15  }
0x143: {  	[tilespmem:$0x9F50] =	vst @!p3 v15  }
0x144: {  	[tilespmem:$0x9F60] =	vst @!p3 v15  }
0x145: {  	[tilespmem:$0x9F40] =	vst @!p3 v15  }
0x146: {  	[tilespmem:$0x9F30] =	vst @!p3 v15  }
0x147: {  	[tilespmem:$0x9F00] =	vst @!p3 v15  }
0x148: {  	[tilespmem:$0x9F20] =	vst @!p3 v15  }
0x149: {  	s3 =	simm.s32 @!p3 $0x9F00;
	s17 =	simm.s32 @p1 $0x3;
	[tilespmem:$0x9F10] =	vst @!p3 v15  }
0x14a: {  	[spmem:s11] =	stream.linear.scatter @!p3 [tilespmem:s3], [sflag:$0x3], $0x80, $0x38;
	[tilespmem:$0x1E200] =	vst v63  }
0x14b: {  	_ =	swait.ge @p1 [sflag:s17], $0x80  }
0x14c: {  	[sflag:s17] =	ssyncset.done @p1 $0x0  }
0x14d: {  	[sflag:s17] =	ssyncadd.s32 @p1 $0xFFFFFF80  }
0x14e: {  	v15 =	vld [tilespmem:s31+$0xFFFFFF40]  }
0x14f: {  	v16 =	vld [tilespmem:s31+$0x0]  }
0x150: {  	v17 =	vld [tilespmem:s31+$0xFFFFFF10]  }
0x151: {  	v18 =	vld [tilespmem:s31+$0xFFFFFF30]  }
0x152: {  	v20 =	vld [tilespmem:s31+$0xFFFFFF20]  }
0x153: {  	v21 =	vld [tilespmem:s31+$0xFFFFFFD0]  }
0x154: {  	s2 =	sshra.s32 s2, $0x2;
	v22 =	vld [tilespmem:s31+$0xFFFFFFF0];
	v16 =	vadd.f32 v16, v15  }
0x155: {  	v15 =	vld.idx.msk [tilespmem:v6+s2+$0x0 ss:$0x1], $0xffff  }
0x156: {  	v23 =	vld [tilespmem:s31+$0xFFFFFFE0];
	v16 =	vmax.f32 v16, $0.0e+00  }
0x157: {  	v19 =	vadd.f32 $1.000000010e-07, v16  }
0x158: {  	v16 =	vadd.f32 v21, v17  }
0x159: {  	v17 =	vadd.f32 v22, v18;
	v21 =	vmul.f32 v19, v1  }
0x15a: {  	v16 =	vmax.f32 v16, $0.0e+00  }
.Ltmp4:
0x15b: {  	(v2sf) =	vpush v15, $0x0;
	v20 =	vadd.f32 v23, v20;
	v17 =	vmax.f32 v17, $0.0e+00;
	(pc) =	sbr.rel @p2 .LBB2_9-.Ltmp4, $4  }
0x15c: {  	v18 =	vadd.f32 $1.000000010e-07, v16;
	v17 =	vadd.f32 $1.000000010e-07, v17  }
0x15d: {  	v21 =	vsub.f32 v21, v5;
	v16 =	vmax.f32 v20, $0.0e+00  }
0x15e: {  	v22 =	vmul.f32 v18, v1;
	v16 =	vadd.f32 $1.000000010e-07, v16;
	v20 =	vmul.f32 v17, v1  }
0x15f: {  	v21 =	vmul.f32 $1.442695020e+00, v21  }
0x160: {  	v6 =	vsub.f32 v22, v2;
	v44 =	vmul.f32 v16, v1  }
0x161: {  	v20 =	vsub.f32 v20, v4;
	(erf) = vpow2.f32 v21  }
0x162: {  	v6 =	vmul.f32 $1.442695020e+00, v6;
	v45 =	vsub.f32 v44, v3  }
0x163: {  	v20 =	vmul.f32 $1.442695020e+00, v20  }
0x164: {  	v21 =	vmul.f32 $1.442695020e+00, v45;
	(erf) = vpow2.f32 v6  }
0x165: {  	(erf) = vpow2.f32 v20  }
0x166: {  	(erf) = vpow2.f32 v21;
	_ =	sdelay $0x3  }
0x167: {  	v11 =	vpsel p1, $0x0, v11;
	s0 =	spop (v2sf);
	v6 =	vpop (erf)  }
0x168: {  	v7 =	vpsel p1, $0x0, v7;
	p3 =	sgt.s32 s30, $0xFFFFFFFF;
	p2 =	sne.s32 s0, s30;
	v19 =	vmul.f32 v6, v19  }
0x169: {  	v6 =	vadd.f32 v6, v7;
	p2 =	por !p3, !p2  }
0x16a: {  	v7 =	vpsel p1, $0x0, v9;
	p2 =	por !p2, !p2;
	v9 =	vadd.f32 v19, v11;
	v11 =	vpop (erf)  }
0x16b: {  	v10 =	vpsel p1, $0x0, v10;
	[tilespmem:$0x9EB0] =	vst @p2 v6;
	v7 =	vadd.f32 v11, v7;
	v46 =	vpop (erf)  }
0x16c: {  	v12 =	vpsel p1, $0x0, v12;
	v11 =	vmul.f32 v11, v18;
	[tilespmem:$0x9EF0] =	vst @p2 v9;
	v10 =	vadd.f32 v46, v10;
	v47 =	vpop (erf)  }
0x16d: {  	v13 =	vpsel p1, $0x0, v13;
	v17 =	vmul.f32 v46, v17;
	[tilespmem:$0x9E80] =	vst @p2 v7;
	v12 =	vadd.f32 v47, v12  }
0x16e: {  	v14 =	vpsel p1, $0x0, v14;
	p4 =	sne.s32 @p2 s29, $0x0;
	p3 =	por p2, p2;
	v16 =	vmul.f32 v47, v16;
	v11 =	vadd.f32 v11, v13;
	[tilespmem:$0x9EA0] =	vst @p2 v10  }
0x16f: {  	v8 =	vpsel p1, $0x0, v8;
	p5 =	por !p4, !p2;
	v14 =	vadd.f32 v17, v14;
	[tilespmem:$0x9E90] =	vst @p3 v12  }
0x170: {  	s2 =	sshll.u32 @!p5 s30, $0x9;
	v13 =	vadd.f32 v16, v8;
	[tilespmem:$0x9EC0] =	vst @p3 v11  }
0x171: {  	s2 =	sshra.s32 @!p5 s2, $0x2;
	[tilespmem:$0x9EE0] =	vst @p3 v14  }
0x172: {  	p1 =	por p4, !p3;
	s3 =	simm.s32 @!p5 $0x9E80;
	s2 =	sadd.s32 @!p5 s2, s4;
	[tilespmem:$0x9ED0] =	vst @p3 v13  }
0x173: {  	[spmem:s2] =	stream.linear.scatter @!p5 [tilespmem:s3], [sflag:$0x3], $0x80, $0x38;
	[tilespmem:$0x1E200] =	vst v63  }
0x174: {  	v8 =	vmov @!p1 s30;
	s2 =	simm.s32 @!p1 $0x9E80;
	s3 =	simm.s32 @!p1 $0x3  }
0x175: {  	v8 =	vcvt.s32.f32 @!p1 v8;
	[spmem:s10] =	stream.linear.scatter @!p1 [tilespmem:s2], [sflag:$0x3], $0x80, $0x38;
	[tilespmem:$0x1E200] =	vst v63  }
0x176: {  	_ =	swait.ge @!p1 [sflag:s3], $0x80  }
0x177: {  	v8 =	vbroadcast @!p1 v8, $0x0;
	[sflag:s3] =	ssyncset.done @!p1 $0x0  }
0x178: {  	[sflag:s3] =	ssyncadd.s32 @!p1 $0xFFFFFF80  }
0x179: {  	[tilespmem:$0x9F70] =	vst @!p1 v8  }
0x17a: {  	[tilespmem:$0x9F50] =	vst @!p1 v8  }
0x17b: {  	[tilespmem:$0x9F60] =	vst @!p1 v8  }
0x17c: {  	[tilespmem:$0x9F40] =	vst @!p1 v8  }
0x17d: {  	[tilespmem:$0x9F30] =	vst @!p1 v8  }
0x17e: {  	[tilespmem:$0x9F00] =	vst @!p1 v8  }
0x17f: {  	[tilespmem:$0x9F20] =	vst @!p1 v8  }
0x180: {  	s2 =	simm.s32 @!p1 $0x9F00;
	s3 =	simm.s32 @p3 $0x3;
	[tilespmem:$0x9F10] =	vst @!p1 v8  }
0x181: {  	[spmem:s11] =	stream.linear.scatter @!p1 [tilespmem:s2], [sflag:$0x3], $0x80, $0x38;
	[tilespmem:$0x1E200] =	vst v63  }
0x182: {  	_ =	swait.ge @p3 [sflag:s3], $0x80  }
0x183: {  	[sflag:s3] =	ssyncset.done @p3 $0x0  }
0x184: {  	s31 =	sadd.s32 $0x100, s31;
	[sflag:s3] =	ssyncadd.s32 @p3 $0xFFFFFF80  }
0x185: {  	v8 =	vld [tilespmem:s31+$0xFFFFFF40]  }
0x186: {  	v16 =	vld [tilespmem:s31+$0x0]  }
0x187: {  	v17 =	vld [tilespmem:s31+$0xFFFFFF10]  }
0x188: {  	v48 =	vld [tilespmem:s31+$0xFFFFFF30]  }
0x189: {  	v49 =	vld [tilespmem:s31+$0xFFFFFF20]  }
0x18a: {  	v50 =	vld [tilespmem:s31+$0xFFFFFFD0]  }
0x18b: {  	v51 =	vld [tilespmem:s31+$0xFFFFFFF0]  }
0x18c: {  	v52 =	vld [tilespmem:s31+$0xFFFFFFE0]  }
0x18d: {  	v8 =	vadd.f32 v16, v8;
	_ =	sdelay $0x1  }
0x18e: {  	v16 =	vadd.f32 v50, v17;
	v8 =	vmax.f32 v8, $0.0e+00  }
0x18f: {  	v17 =	vadd.f32 v51, v48;
	v8 =	vadd.f32 $1.000000010e-07, v8  }
0x190: {  	v53 =	vadd.f32 v52, v49;
	v16 =	vmax.f32 v16, $0.0e+00  }
0x191: {  	v17 =	vmax.f32 v17, $0.0e+00;
	v16 =	vadd.f32 $1.000000010e-07, v16;
	v54 =	vmul.f32 v8, v1  }
0x192: {  	v18 =	vmax.f32 v53, $0.0e+00;
	v17 =	vadd.f32 $1.000000010e-07, v17  }
0x193: {  	v18 =	vadd.f32 $1.000000010e-07, v18;
	v55 =	vmul.f32 v16, v1;
	v19 =	vsub.f32 v54, v5  }
0x194: {  	v56 =	vmul.f32 v17, v1  }
0x195: {  	v57 =	vmul.f32 v18, v1;
	v20 =	vsub.f32 v55, v2;
	v19 =	vmul.f32 $1.442695020e+00, v19  }
0x196: {  	v21 =	vsub.f32 v56, v4  }
0x197: {  	v59 =	vsub.f32 v57, v3;
	v58 =	vmul.f32 $1.442695020e+00, v20;
	(erf) = vpow2.f32 v19  }
0x198: {  	v21 =	vmul.f32 $1.442695020e+00, v21  }
0x199: {  	v20 =	vmul.f32 $1.442695020e+00, v59;
	(erf) = vpow2.f32 v58  }
0x19a: {  	(erf) = vpow2.f32 v21  }
0x19b: {  	(erf) = vpow2.f32 v20;
	_ =	sdelay $0x4  }
0x19c: {  	v60 =	vpop (erf)  }
0x19d: {  	s28 =	sadd.s32 $0x1, s28;
	v6 =	vpsel p3, $0x0, v6;
	v9 =	vpsel p3, $0x0, v9;
	v61 =	vmul.f32 v60, v8  }
0x19e: {  	p1 =	sne.s32 s28, $0x7D;
	v8 =	vadd.f32 v60, v6;
	v6 =	vpsel p3, $0x0, v14;
	v14 =	vpsel p3, $0x0, v11;
	v62 =	vpop (erf)  }
.Ltmp5:
0x19f: {  	v11 =	vpsel p3, $0x0, v7;
	v7 =	vadd.f32 v61, v9;
	v9 =	vpsel p3, $0x0, v10;
	v10 =	vpop (erf);
	(pc) =	sbr.rel @p1 .LBB2_6-.Ltmp5, $4  }
0x1a0: {  	v12 =	vpsel p3, $0x0, v12;
	v11 =	vadd.f32 v62, v11;
	v16 =	vmul.f32 v62, v16;
	v63 =	vpop (erf)  }
0x1a1: {  	s2 =	simm.s32 $0x1;
	v9 =	vadd.f32 v10, v9;
	v17 =	vmul.f32 v10, v17;
	v18 =	vmul.f32 v63, v18  }
0x1a2: {  	s2 =	simm.s32 @!p2 $0x0;
	v10 =	vadd.f32 v16, v14;
	v14 =	vpsel p3, $0x0, v13;
	v12 =	vadd.f32 v63, v12  }
0x1a3: {  	s25 =	sadd.s32 $0xA0, s25;
	s26 =	sadd.s32 $0xA0, s26;
	s2 =	sor.u32 s2, s29;
	v13 =	vadd.f32 v17, v6;
	v6 =	vadd.f32 v18, v14  }
0x1a4: {  	[tilespmem:$0x9E80] =	vst v11  }
0x1a5: {  	[tilespmem:$0x9E90] =	vst v12  }
0x1a6: {  	[tilespmem:$0x9EA0] =	vst v9  }
0x1a7: {  	[tilespmem:$0x9EB0] =	vst v8  }
0x1a8: {  	[tilespmem:$0x9EC0] =	vst v10;
	p1 =	sne.s32 s2, $0x0  }
0x1a9: {  	[tilespmem:$0x9EF0] =	vst v7;
	s0 =	sshll.u32 @p1 s0, $0x9  }
0x1aa: {  	[tilespmem:$0x9ED0] =	vst v6;
	s0 =	sshra.s32 @p1 s0, $0x2  }
0x1ab: {  	[tilespmem:$0x9EE0] =	vst v13;
	s2 =	simm.s32 @p1 $0x9E80;
	s0 =	sadd.s32 @p1 s0, s4  }
0x1ac: {  	[spmem:s0] =	stream.linear.scatter @p1 [tilespmem:s2], [sflag:$0x3], $0x80, $0x38;
	[tilespmem:$0x1E200] =	vst v63  }
0x1ad: {  	s0 =	simm.s32 @!p1 $0x9E80  }
0x1ae: {  	[spmem:s10] =	stream.linear.scatter @!p1 [tilespmem:s0], [sflag:$0x3], $0x80, $0x38;
	[tilespmem:$0x1E200] =	vst v63  }
0x1af: {  	v1 =	vcvt.s32.f32 @!p1 v15;
	s0 =	simm.s32 @!p1 $0x3  }
0x1b0: {  	_ =	swait.ge @!p1 [sflag:s0], $0x80  }
0x1b1: {  	v1 =	vbroadcast @!p1 v1, $0x0;
	[sflag:s0] =	ssyncset.done @!p1 $0x0  }
0x1b2: {  	[sflag:s0] =	ssyncadd.s32 @!p1 $0xFFFFFF80  }
0x1b3: {  	[tilespmem:$0x9F00] =	vst @!p1 v1  }
0x1b4: {  	[tilespmem:$0x9F10] =	vst @!p1 v1  }
0x1b5: {  	[tilespmem:$0x9F20] =	vst @!p1 v1  }
0x1b6: {  	[tilespmem:$0x9F30] =	vst @!p1 v1  }
0x1b7: {  	[tilespmem:$0x9F40] =	vst @!p1 v1  }
0x1b8: {  	[tilespmem:$0x9F50] =	vst @!p1 v1  }
0x1b9: {  	[tilespmem:$0x9F60] =	vst @!p1 v1  }
0x1ba: {  	s0 =	simm.s32 @!p1 $0x9F00;
	[tilespmem:$0x9F70] =	vst @!p1 v1  }
0x1bb: {  	[spmem:s11] =	stream.linear.scatter @!p1 [tilespmem:s0], [sflag:$0x3], $0x80, $0x38;
	[tilespmem:$0x1E200] =	vst v63  }
0x1bc: {  	_ =	swait.ge [sflag:s16], $0x80  }
0x1bd: {  	[sflag:s16] =	ssyncset.done $0x0  }
0x1be: {  	[sflag:s16] =	ssyncadd.s32 $0xFFFFFF80  }
0x1bf: {  	s0 =	simm.s32 @p0 $0x1FC3;
	[bflag:$0x0] =	sbarrier.arrive $0xFFFF  }
0x1c0: {  	[hbm:s13], [sflag:s0] =	dma.local @p0 [spmem:s24], $0x2A00  }
0x1c1: {  	s0 =	simm.s32 @p0 $0x3  }
0x1c2: {  	s6 =	sadd.s32 $0x1, s6;
	_ =	swait.ge @p0 [sflag:s0], $0x2A00  }
0x1c3: {  	s2 =	sshll.u32 @!p0 s5, $0x6;
	p1 =	sne.s32 s6, s14;
	[sflag:s0] =	ssyncset.done @p0 $0x0  }
0x1c4: {  	[sflag:s0] =	ssyncadd.s32 @p0 $0xFFFFD600;
	s0 =	sor.u32 @!p0 $0x1C03, s2;
	s2 =	sshrl.u32 @!p0 s8, $0x3  }
0x1c5: {  	[hbm:s12], [sflag:s0] =	dma.local @!p0 [spmem:s2], $0x2700  }
.Ltmp6:
0x1c6: {  	_ = 	snop;
	(pc) =	sbr.rel @p1 .LBB2_1-.Ltmp6, $4  }
0x1c7: {  	s0 =	simm.s32 @!p0 $0x3  }
0x1c8: {  	_ =	swait.ge @!p0 [sflag:s0], $0x2700  }
0x1c9: {  	[sflag:s0] =	ssyncset.done @!p0 $0x0  }
0x1ca: {  	[sflag:s0] =	ssyncadd.s32 @!p0 $0xFFFFD900  }
0x1cb: {  	_ =	sfence.sel $0x180000  }
0x1cc: {  	[bflag:$0x0] =	sbarrier.arrive $0xFFFF  }
0x1cd: {  	_ =	strace $0x90000047  }
0x1ce: {  	[bflag:$0x2] =	sbarrier.arrive $0xFFFF  }
0x1cf: {  	p0 =	sne.s32 s5, $0x0;
	s0 =	rddreg [dreg:$0x6]  }
0x1d0: {  	s0 =	sadd.s32 @!p0 $0x100000, s0  }
0x1d1: {  	[sflag:s0] =	ssyncadd.tile.s32 @!p0 $0x1;
	_ =	shalt  }
.Lfunc_end2:
_tile_overlayer_lowered:
.L_overlay_start_2:
0x1d2: {  	(tag) =	ssettag $0x2  }
0x1d3: {  	s0 =	rddreg [dreg:$0x0];
	s2 =	stileid.u32  }
0x1d4: {  	s1 =	rddreg [dreg:$0x1];
	p0 =	sne.s32 s2, $0x0  }
0x1d5: {  	s3 =	rddreg [dreg:$0x2];
	[bflag:$0x3] =	sbarrier.arrive $0xFFFF;
	s2 =	simm.s32 @!p0 $0x1C03  }
0x1d6: {  	[timem:s3], [sflag:s2] =	dma.local @!p0 [hbm:s0], s1  }
0x1d7: {  	s0 =	simm.s32 @!p0 $0x3  }
0x1d8: {  	_ =	swait.ge @!p0 [sflag:s0], s1  }
0x1d9: {  	s1 =	ssub.s32 @!p0 $0x0, s1;
	[sflag:s0] =	ssyncset.done @!p0 $0x0  }
0x1da: {  	[sflag:s0] =	ssyncadd.s32 @!p0 s1  }
0x1db: {  	[bflag:$0x3] =	sbarrier.arrive $0xFFFF  }
0x1dc: {  	_ =	shalt  }

</sc_bundles>
